<compile_context>
chip_gen: v7x
topology: tpu7x:2x2x1
jax: 0.10.2.dev20260603
libtpu: 0.0.44.dev20260713+nightly
codegen_flags: <defaults>
</compile_context>

<pallas_src>
import functools

import jax
import jax.numpy as jnp
from jax import lax
from jax.experimental import pallas as pl
from jax.experimental.pallas import tpu as pltpu
from jax.experimental.pallas import tpu_sc as plsc

NUM_IDS = 100000
PAD_IDS = 102400
N_FLAT = 4096 * 50
FINAL = 256
NC, NS = 2, 16
NW = NC * NS
CHUNK = 128

_MESH = dict(core_axis_name="c", subcore_axis_name="s")


def _wid():
    return lax.axis_index("s") * NC + lax.axis_index("c")


@functools.cache
def _make_attr_gather():
    return functools.partial(
        pl.kernel,
        mesh=plsc.VectorSubcoreMesh(**_MESH),
        out_type=[jax.ShapeDtypeStruct((PAD_IDS, 128), jnp.float32)] * 3,
        scratch_types=[
            pltpu.VMEM((PAD_IDS // NW,), jnp.int32),
            pltpu.VMEM((PAD_IDS // NW,), jnp.int32),
            pltpu.VMEM((PAD_IDS // NW,), jnp.int32),
            pltpu.VMEM((CHUNK, 128), jnp.float32),
            pltpu.VMEM((CHUNK, 128), jnp.float32),
            pltpu.VMEM((CHUNK, 128), jnp.float32),
            pltpu.VMEM((CHUNK, 128), jnp.float32),
            pltpu.VMEM((CHUNK, 128), jnp.float32),
            pltpu.VMEM((CHUNK, 128), jnp.float32),
            pltpu.SemaphoreType.DMA,
            pltpu.SemaphoreType.DMA,
        ],
    )(_attr_gather_body)


def _attr_gather_body(mc, mb, ma, ct, bt, at, xc, xb, xa,
                      ic, ib, ia, rc0, rb0, ra0, rc1, rb1, ra1, s0, s1):
    rpw = PAD_IDS // NW
    cpw = rpw // CHUNK
    wid = _wid()
    wbase = wid * rpw

    pltpu.sync_copy(mc.at[pl.ds(wbase, rpw)], ic)
    pltpu.sync_copy(mb.at[pl.ds(wbase, rpw)], ib)
    pltpu.sync_copy(ma.at[pl.ds(wbase, rpw)], ia)

    def start(j, rc, rb, ra, sem):
        off = j * CHUNK
        pltpu.async_copy(ct.at[ic.at[pl.ds(off, CHUNK)]], rc, sem)
        pltpu.async_copy(bt.at[ib.at[pl.ds(off, CHUNK)]], rb, sem)
        pltpu.async_copy(at.at[ia.at[pl.ds(off, CHUNK)]], ra, sem)

    def drain(j, rc, rb, ra, sem):
        base = wbase + j * CHUNK
        pltpu.make_async_copy(ct.at[ic.at[pl.ds(0, CHUNK)]], rc, sem).wait()
        pltpu.make_async_copy(bt.at[ib.at[pl.ds(0, CHUNK)]], rb, sem).wait()
        pltpu.make_async_copy(at.at[ia.at[pl.ds(0, CHUNK)]], ra, sem).wait()
        pltpu.sync_copy(rc, xc.at[pl.ds(base, CHUNK)])
        pltpu.sync_copy(rb, xb.at[pl.ds(base, CHUNK)])
        pltpu.sync_copy(ra, xa.at[pl.ds(base, CHUNK)])

    start(0, rc0, rb0, ra0, s0)

    def body(j, carry):
        @pl.when(j % 2 == 0)
        def _():
            @pl.when(j + 1 < cpw)
            def _():
                start(j + 1, rc1, rb1, ra1, s1)
            drain(j, rc0, rb0, ra0, s0)

        @pl.when(j % 2 == 1)
        def _():
            @pl.when(j + 1 < cpw)
            def _():
                start(j + 1, rc0, rb0, ra0, s0)
            drain(j, rc1, rb1, ra1, s1)

        return carry

    lax.fori_loop(0, cpw, body, 0)


def _mm_body(item_ref, xc_ref, xb_ref, xa_ref, w_ref, b_ref, h_ref):
    bf = jnp.bfloat16
    acc = jnp.dot(item_ref[...].astype(bf), w_ref[0:128, :].astype(bf),
                  preferred_element_type=jnp.float32)
    acc = acc + jnp.dot(xc_ref[:, 0:64].astype(bf), w_ref[128:192, :].astype(bf),
                        preferred_element_type=jnp.float32)
    acc = acc + jnp.dot(xb_ref[:, 0:64].astype(bf), w_ref[192:256, :].astype(bf),
                        preferred_element_type=jnp.float32)
    acc = acc + jnp.dot(xa_ref[:, 0:64].astype(bf), w_ref[256:320, :].astype(bf),
                        preferred_element_type=jnp.float32)
    h = jnp.tanh(acc + b_ref[...])
    row = lax.broadcasted_iota(jnp.int32, h.shape, 0)
    h_ref[...] = jnp.where((pl.program_id(0) == 0) & (row == 0), 0.0, h)


def _make_mm(bm):
    grid = NUM_IDS // bm
    return pl.pallas_call(
        _mm_body,
        grid=(grid,),
        in_specs=[
            pl.BlockSpec((bm, 128), lambda i: (i, 0)),
            pl.BlockSpec((bm, 128), lambda i: (i, 0)),
            pl.BlockSpec((bm, 128), lambda i: (i, 0)),
            pl.BlockSpec((bm, 128), lambda i: (i, 0)),
            pl.BlockSpec((320, FINAL), lambda i: (0, 0)),
            pl.BlockSpec((1, FINAL), lambda i: (0, 0)),
        ],
        out_specs=pl.BlockSpec((bm, FINAL), lambda i: (i, 0)),
        out_shape=jax.ShapeDtypeStruct((NUM_IDS, FINAL), jnp.float32),
    )


@functools.cache
def _make_emb_gather():
    return functools.partial(
        pl.kernel,
        mesh=plsc.VectorSubcoreMesh(**_MESH),
        out_type=jax.ShapeDtypeStruct((N_FLAT, FINAL), jnp.float32),
        scratch_types=[
            pltpu.VMEM((N_FLAT // NW,), jnp.int32),
            pltpu.VMEM((CHUNK, FINAL), jnp.float32),
            pltpu.VMEM((CHUNK, FINAL), jnp.float32),
            pltpu.SemaphoreType.DMA,
            pltpu.SemaphoreType.DMA,
        ],
    )(_emb_gather_body)


def _emb_gather_body(h, flat, out, idx, r0, r1, s0, s1):
    rpw = N_FLAT // NW
    cpw = rpw // CHUNK
    wid = _wid()
    wbase = wid * rpw

    pltpu.sync_copy(flat.at[pl.ds(wbase, rpw)], idx)

    def start(j, rows, sem):
        pltpu.async_copy(h.at[idx.at[pl.ds(j * CHUNK, CHUNK)]], rows, sem)

    def drain(j, rows, sem):
        pltpu.make_async_copy(h.at[idx.at[pl.ds(0, CHUNK)]], rows, sem).wait()
        pltpu.sync_copy(rows, out.at[pl.ds(wbase + j * CHUNK, CHUNK)])

    start(0, r0, s0)

    def body(j, carry):
        @pl.when(j % 2 == 0)
        def _():
            @pl.when(j + 1 < cpw)
            def _():
                start(j + 1, r1, s1)
            drain(j, r0, s0)

        @pl.when(j % 2 == 1)
        def _():
            @pl.when(j + 1 < cpw)
            def _():
                start(j + 1, r0, s0)
            drain(j, r1, s1)

        return carry

    lax.fori_loop(0, cpw, body, 0)


def kernel(sample, item_id_table, category_table, brand_table, author_table,
           map_category, map_brand, map_author, W, b):
    pad = PAD_IDS - NUM_IDS
    mc = jnp.pad(map_category, (0, pad))
    mb = jnp.pad(map_brand, (0, pad))
    ma = jnp.pad(map_author, (0, pad))
    ct = jnp.pad(category_table, ((0, 0), (0, 64)))
    bt = jnp.pad(brand_table, ((0, 0), (0, 64)))
    at = jnp.pad(author_table, ((0, 0), (0, 64)))
    xc, xb, xa = _make_attr_gather()(mc, mb, ma, ct, bt, at)
    h = _make_mm(800)(item_id_table, xc, xb, xa, W, b.reshape(1, FINAL))
    flat_t = sample.T.reshape(-1).astype(jnp.int32)
    out = _make_emb_gather()(h, flat_t)
    ns, np_ = sample.shape
    return out.reshape(np_, ns, FINAL).transpose(1, 0, 2)

# --- scband reference (transcript-rebuilt; emitter-appended) ---
"""Pipeline reference for scband-item-feat-2645699854549 (READ-ONLY COPY).

The authoritative reference and input builder live on the scoring server;
editing this copy changes nothing except your own understanding.
"""

import jax, jax.numpy as jnp
import numpy as np

ATTRS = ['item_id', 'category', 'brand', 'author']
NUMS = {'item_id': 100000, 'category': 2000, 'brand': 50000, 'author': 30000}
DIMS = {'item_id': 128, 'category': 64, 'brand': 64, 'author': 64}
FINAL = 256
SIZE = sum(DIMS.values())


def setup_inputs(seed: int = 0) -> dict:
    key = jax.random.key(seed)
    ks = jax.random.split(key, 16)
    inp = {}
    inp['sample'] = jax.random.randint(ks[0], (4096, 50), 0, NUMS['item_id'], dtype=jnp.int64) if jax.config.jax_enable_x64 else jax.random.randint(ks[0], (4096, 50), 0, NUMS['item_id'], dtype=jnp.int32)
    for i, a in enumerate(ATTRS):
        scale = (2.0 / (NUMS[a] + DIMS[a])) ** 0.5
        t = jax.random.normal(ks[1 + i], (NUMS[a], DIMS[a]), dtype=jnp.float32) * scale
        t = t.at[0, :].set(0.0)  # padding_idx=0
        inp[f'{a}_table'] = t
    for j, a in enumerate(['category', 'brand', 'author']):
        inp[f'map_{a}'] = jax.random.randint(ks[8 + j], (NUMS['item_id'],), 0, NUMS[a], dtype=jnp.int32)
    wscale = (2.0 / (SIZE + FINAL)) ** 0.5
    inp['W'] = jax.random.normal(ks[12], (SIZE, FINAL), dtype=jnp.float32) * wscale
    inp['b'] = jnp.zeros((FINAL,), dtype=jnp.float32)
    return inp


def reference(sample, item_id_table, category_table, brand_table, author_table,
              map_category, map_brand, map_author, W, b):
    flat = sample.reshape((-1,))
    mask = (flat != 0).astype(jnp.float32)[:, None]
    tables = {'item_id': item_id_table, 'category': category_table,
              'brand': brand_table, 'author': author_table}
    maps = {'category': map_category, 'brand': map_brand, 'author': map_author}
    feats_ls = []
    for a in ATTRS:
        if a == 'item_id':
            index = flat
        else:
            index = jnp.take(maps[a], flat, axis=0)
        feats_ls.append(jnp.take(tables[a], index, axis=0))
    h = jnp.tanh(jnp.concatenate(feats_ls, axis=-1) @ W + b)
    result_emb = h * mask  # zero out padded positions (sample == 0)
    return result_emb.reshape(sample.shape + (FINAL,))

if __name__ == "__main__":
    import jax
    _d = setup_inputs()
    print(jax.jit(kernel)(*tuple(_d.values())))

</pallas_src>

<mosaic_0001>
#map = affine_map<(d0, d1) -> (0, 0)>
#map1 = affine_map<(d0, d1) -> (0)>
module attributes {stable_mosaic.version = 14 : i64} {
  func.func @_emb_gather_body(%arg0: i32, %arg1: i32, %arg2: memref<100000x256xf32, #tpu.memory_space<hbm>>, %arg3: memref<204800xi32, #tpu.memory_space<hbm>>, %arg4: memref<204800x256xf32, #tpu.memory_space<hbm>>, %arg5: memref<6400xi32, #tpu.memory_space<vmem>>, %arg6: memref<128x256xf32, #tpu.memory_space<vmem>>, %arg7: memref<128x256xf32, #tpu.memory_space<vmem>>, %arg8: memref<!tpu.dma_semaphore, #tpu.memory_space<semaphore_mem>>, %arg9: memref<!tpu.dma_semaphore, #tpu.memory_space<semaphore_mem>>) attributes {dimension_semantics = [#tpu.dimension_semantics<core_parallel>, #tpu.dimension_semantics<subcore_parallel>], iteration_bounds = array<i64: 2, 16>, scalar_prefetch = 0 : i64, scratch_operands = 5 : i64, tpu.core_type = #tpu.core_type<sc_vector_subcore>, window_params = [{transform_indices = #map}, {transform_indices = #map1}, {transform_indices = #map}]} {
    %mul3A = arith.constant 2 : i32
    %mul3A_0 = arith.muli %arg1, %mul3A : i32
    %add3A = arith.addi %mul3A_0, %arg0 : i32
    %mul3A_1 = arith.constant 6400 : i32
    %mul3A_2 = arith.muli %add3A, %mul3A_1 : i32
    "tpu.region"() ({
      %run_scoped3A = tpu.sem_alloc : memref<!tpu.dma_semaphore, #tpu.memory_space<semaphore_mem>>
      %dma_start3A_12 = tpu.memref_slice %arg3[%mul3A_2] : memref<204800xi32, #tpu.memory_space<hbm>> -> memref<6400xi32, #tpu.memory_space<hbm>>
      %dma_start3A_13 = tpu.memref_slice %arg3[%mul3A_2] : memref<204800xi32, #tpu.memory_space<hbm>> -> memref<6400xi32, #tpu.memory_space<hbm>>
      tpu.enqueue_dma source(%dma_start3A_13 : memref<6400xi32, #tpu.memory_space<hbm>>) target(%arg5 : memref<6400xi32, #tpu.memory_space<vmem>>) target_semaphore(%run_scoped3A : memref<!tpu.dma_semaphore, #tpu.memory_space<semaphore_mem>>)
      %dma_wait3A = tpu.memref_slice %arg3[%mul3A_2] : memref<204800xi32, #tpu.memory_space<hbm>> -> memref<6400xi32, #tpu.memory_space<hbm>>
      %dma_wait3A_14 = tpu.memref_slice %arg3[%mul3A_2] : memref<204800xi32, #tpu.memory_space<hbm>> -> memref<6400xi32, #tpu.memory_space<hbm>>
      tpu.wait_dma2 semaphore(%run_scoped3A : memref<!tpu.dma_semaphore, #tpu.memory_space<semaphore_mem>>) src(%dma_wait3A_14 : memref<6400xi32, #tpu.memory_space<hbm>>) dst(%arg5 : memref<6400xi32, #tpu.memory_space<vmem>>)
      tpu.yield
    }) : () -> ()
    %dma_start3A = arith.constant 0 : i32
    %dma_start3A_3 = tpu.memref_slice %arg5[%dma_start3A] : memref<6400xi32, #tpu.memory_space<vmem>> -> memref<128xi32, #tpu.memory_space<vmem>>
    %dma_start3A_4 = arith.constant 0 : i32
    %dma_start3A_5 = arith.constant 0 : i32
    %dma_start3A_6 = tpu.memref_slice %arg2[%dma_start3A_4, %dma_start3A_5] : memref<100000x256xf32, #tpu.memory_space<hbm>> -> memref<100000x256xf32, #tpu.memory_space<hbm>>
    tpu.enqueue_indirect_dma source(%dma_start3A_6 : memref<100000x256xf32, #tpu.memory_space<hbm>>) target(%arg6 : memref<128x256xf32, #tpu.memory_space<vmem>>) offsets(%dma_start3A_3 : memref<128xi32, #tpu.memory_space<vmem>>) semaphore(%arg8 : memref<!tpu.dma_semaphore, #tpu.memory_space<semaphore_mem>>)
    %scan3A = arith.constant 0 : i32
    %scan3A_7 = arith.constant 0 : i32
    %scan3A_8 = arith.constant 50 : i32
    %scan3A_9 = arith.addi %scan3A_7, %scan3A_8 : i32
    %scan3A_10 = arith.constant 1 : i32
    scf.for %scan3A_12 = %scan3A_7 to %scan3A_9 step %scan3A_10  : i32 {
      %jit3A = arith.constant 2 : i32
      %eq3A = arith.constant 0 : i32
      %eq3A_13 = arith.cmpi eq, %jit3A, %eq3A : i32
      %jit3A_14 = arith.constant 1 : i32
      %select_n3A = arith.select %eq3A_13, %jit3A_14, %jit3A : i32
      %rem3A = arith.remsi %scan3A_12, %select_n3A : i32
      %ne3A = arith.constant 0 : i32
      %ne3A_15 = arith.cmpi ne, %rem3A, %ne3A : i32
      %lt3A = arith.constant 0 : i32
      %lt3A_16 = arith.cmpi slt, %rem3A, %lt3A : i32
      %lt3A_17 = arith.constant 0 : i32
      %lt3A_18 = arith.cmpi slt, %select_n3A, %lt3A_17 : i32
      %ne3A_19 = arith.xori %lt3A_16, %lt3A_18 : i1
      %and3A = arith.andi %ne3A_19, %ne3A_15 : i1
      %add3A_20 = arith.addi %rem3A, %select_n3A : i32
      %select_n3A_21 = arith.select %and3A, %add3A_20, %rem3A : i32
      %eq3A_22 = arith.constant 0 : i32
      %eq3A_23 = arith.cmpi eq, %select_n3A_21, %eq3A_22 : i32
      %convert_element_type3A = arith.extui %eq3A_23 : i1 to i32
      %cond3A = arith.constant 0 : i32
      %cond3A_24 = arith.cmpi ne, %convert_element_type3A, %cond3A : i32
      scf.if %cond3A_24 {
        %add3A_46 = arith.constant 1 : i32
        %add3A_47 = arith.addi %scan3A_12, %add3A_46 : i32
        %lt3A_48 = arith.constant 50 : i32
        %lt3A_49 = arith.cmpi slt, %add3A_47, %lt3A_48 : i32
        %convert_element_type3A_50 = arith.extui %lt3A_49 : i1 to i32
        %cond3A_51 = arith.constant 0 : i32
        %cond3A_52 = arith.cmpi ne, %convert_element_type3A_50, %cond3A_51 : i32
        scf.if %cond3A_52 {
          %add3A_60 = arith.constant 1 : i32
          %add3A_61 = arith.addi %scan3A_12, %add3A_60 : i32
          %mul3A_62 = arith.constant 128 : i32
          %mul3A_63 = arith.muli %add3A_61, %mul3A_62 : i32
          %dma_start3A_64 = tpu.memref_slice %arg5[%mul3A_63] : memref<6400xi32, #tpu.memory_space<vmem>> -> memref<128xi32, #tpu.memory_space<vmem>>
          %dma_start3A_65 = arith.constant 0 : i32
          %dma_start3A_66 = arith.constant 0 : i32
          %dma_start3A_67 = tpu.memref_slice %arg2[%dma_start3A_65, %dma_start3A_66] : memref<100000x256xf32, #tpu.memory_space<hbm>> -> memref<100000x256xf32, #tpu.memory_space<hbm>>
          tpu.enqueue_indirect_dma source(%dma_start3A_67 : memref<100000x256xf32, #tpu.memory_space<hbm>>) target(%arg7 : memref<128x256xf32, #tpu.memory_space<vmem>>) offsets(%dma_start3A_64 : memref<128xi32, #tpu.memory_space<vmem>>) semaphore(%arg9 : memref<!tpu.dma_semaphore, #tpu.memory_space<semaphore_mem>>)
        } else {
        }
        %dma_wait3A = arith.constant 0 : i32
        %dma_wait3A_53 = tpu.memref_slice %arg5[%dma_wait3A] : memref<6400xi32, #tpu.memory_space<vmem>> -> memref<128xi32, #tpu.memory_space<vmem>>
        %dma_wait3A_54 = arith.constant 0 : i32
        %dma_wait3A_55 = arith.constant 0 : i32
        %dma_wait3A_56 = tpu.memref_slice %arg2[%dma_wait3A_54, %dma_wait3A_55] : memref<100000x256xf32, #tpu.memory_space<hbm>> -> memref<100000x256xf32, #tpu.memory_space<hbm>>
        tpu.wait_indirect_dma semaphore(%arg8 : memref<!tpu.dma_semaphore, #tpu.memory_space<semaphore_mem>>) src(%dma_wait3A_56 : memref<100000x256xf32, #tpu.memory_space<hbm>>) dst(%arg6 : memref<128x256xf32, #tpu.memory_space<vmem>>)
        %mul3A_57 = arith.constant 128 : i32
        %mul3A_58 = arith.muli %scan3A_12, %mul3A_57 : i32
        %add3A_59 = arith.addi %mul3A_2, %mul3A_58 : i32
        "tpu.region"() ({
          %run_scoped3A = tpu.sem_alloc : memref<!tpu.dma_semaphore, #tpu.memory_space<semaphore_mem>>
          %dma_start3A_60 = arith.constant 0 : i32
          %dma_start3A_61 = tpu.memref_slice %arg4[%add3A_59, %dma_start3A_60] : memref<204800x256xf32, #tpu.memory_space<hbm>> -> memref<128x256xf32, #tpu.memory_space<hbm>>
          %dma_start3A_62 = arith.constant 0 : i32
          %dma_start3A_63 = tpu.memref_slice %arg4[%add3A_59, %dma_start3A_62] : memref<204800x256xf32, #tpu.memory_space<hbm>> -> memref<128x256xf32, #tpu.memory_space<hbm>>
          tpu.enqueue_dma source(%arg6 : memref<128x256xf32, #tpu.memory_space<vmem>>) target(%dma_start3A_63 : memref<128x256xf32, #tpu.memory_space<hbm>>) target_semaphore(%run_scoped3A : memref<!tpu.dma_semaphore, #tpu.memory_space<semaphore_mem>>)
          %dma_wait3A_64 = arith.constant 0 : i32
          %dma_wait3A_65 = tpu.memref_slice %arg4[%add3A_59, %dma_wait3A_64] : memref<204800x256xf32, #tpu.memory_space<hbm>> -> memref<128x256xf32, #tpu.memory_space<hbm>>
          %dma_wait3A_66 = arith.constant 0 : i32
          %dma_wait3A_67 = tpu.memref_slice %arg4[%add3A_59, %dma_wait3A_66] : memref<204800x256xf32, #tpu.memory_space<hbm>> -> memref<128x256xf32, #tpu.memory_space<hbm>>
          tpu.wait_dma2 semaphore(%run_scoped3A : memref<!tpu.dma_semaphore, #tpu.memory_space<semaphore_mem>>) src(%arg6 : memref<128x256xf32, #tpu.memory_space<vmem>>) dst(%dma_wait3A_67 : memref<128x256xf32, #tpu.memory_space<hbm>>)
          tpu.yield
        }) : () -> ()
      } else {
      }
      %jit3A_25 = arith.constant 2 : i32
      %eq3A_26 = arith.constant 0 : i32
      %eq3A_27 = arith.cmpi eq, %jit3A_25, %eq3A_26 : i32
      %jit3A_28 = arith.constant 1 : i32
      %select_n3A_29 = arith.select %eq3A_27, %jit3A_28, %jit3A_25 : i32
      %rem3A_30 = arith.remsi %scan3A_12, %select_n3A_29 : i32
      %ne3A_31 = arith.constant 0 : i32
      %ne3A_32 = arith.cmpi ne, %rem3A_30, %ne3A_31 : i32
      %lt3A_33 = arith.constant 0 : i32
      %lt3A_34 = arith.cmpi slt, %rem3A_30, %lt3A_33 : i32
      %lt3A_35 = arith.constant 0 : i32
      %lt3A_36 = arith.cmpi slt, %select_n3A_29, %lt3A_35 : i32
      %ne3A_37 = arith.xori %lt3A_34, %lt3A_36 : i1
      %and3A_38 = arith.andi %ne3A_37, %ne3A_32 : i1
      %add3A_39 = arith.addi %rem3A_30, %select_n3A_29 : i32
      %select_n3A_40 = arith.select %and3A_38, %add3A_39, %rem3A_30 : i32
      %eq3A_41 = arith.constant 1 : i32
      %eq3A_42 = arith.cmpi eq, %select_n3A_40, %eq3A_41 : i32
      %convert_element_type3A_43 = arith.extui %eq3A_42 : i1 to i32
      %cond3A_44 = arith.constant 0 : i32
      %cond3A_45 = arith.cmpi ne, %convert_element_type3A_43, %cond3A_44 : i32
      scf.if %cond3A_45 {
        %add3A_46 = arith.constant 1 : i32
        %add3A_47 = arith.addi %scan3A_12, %add3A_46 : i32
        %lt3A_48 = arith.constant 50 : i32
        %lt3A_49 = arith.cmpi slt, %add3A_47, %lt3A_48 : i32
        %convert_element_type3A_50 = arith.extui %lt3A_49 : i1 to i32
        %cond3A_51 = arith.constant 0 : i32
        %cond3A_52 = arith.cmpi ne, %convert_element_type3A_50, %cond3A_51 : i32
        scf.if %cond3A_52 {
          %add3A_60 = arith.constant 1 : i32
          %add3A_61 = arith.addi %scan3A_12, %add3A_60 : i32
          %mul3A_62 = arith.constant 128 : i32
          %mul3A_63 = arith.muli %add3A_61, %mul3A_62 : i32
          %dma_start3A_64 = tpu.memref_slice %arg5[%mul3A_63] : memref<6400xi32, #tpu.memory_space<vmem>> -> memref<128xi32, #tpu.memory_space<vmem>>
          %dma_start3A_65 = arith.constant 0 : i32
          %dma_start3A_66 = arith.constant 0 : i32
          %dma_start3A_67 = tpu.memref_slice %arg2[%dma_start3A_65, %dma_start3A_66] : memref<100000x256xf32, #tpu.memory_space<hbm>> -> memref<100000x256xf32, #tpu.memory_space<hbm>>
          tpu.enqueue_indirect_dma source(%dma_start3A_67 : memref<100000x256xf32, #tpu.memory_space<hbm>>) target(%arg6 : memref<128x256xf32, #tpu.memory_space<vmem>>) offsets(%dma_start3A_64 : memref<128xi32, #tpu.memory_space<vmem>>) semaphore(%arg8 : memref<!tpu.dma_semaphore, #tpu.memory_space<semaphore_mem>>)
        } else {
        }
        %dma_wait3A = arith.constant 0 : i32
        %dma_wait3A_53 = tpu.memref_slice %arg5[%dma_wait3A] : memref<6400xi32, #tpu.memory_space<vmem>> -> memref<128xi32, #tpu.memory_space<vmem>>
        %dma_wait3A_54 = arith.constant 0 : i32
        %dma_wait3A_55 = arith.constant 0 : i32
        %dma_wait3A_56 = tpu.memref_slice %arg2[%dma_wait3A_54, %dma_wait3A_55] : memref<100000x256xf32, #tpu.memory_space<hbm>> -> memref<100000x256xf32, #tpu.memory_space<hbm>>
        tpu.wait_indirect_dma semaphore(%arg9 : memref<!tpu.dma_semaphore, #tpu.memory_space<semaphore_mem>>) src(%dma_wait3A_56 : memref<100000x256xf32, #tpu.memory_space<hbm>>) dst(%arg7 : memref<128x256xf32, #tpu.memory_space<vmem>>)
        %mul3A_57 = arith.constant 128 : i32
        %mul3A_58 = arith.muli %scan3A_12, %mul3A_57 : i32
        %add3A_59 = arith.addi %mul3A_2, %mul3A_58 : i32
        "tpu.region"() ({
          %run_scoped3A = tpu.sem_alloc : memref<!tpu.dma_semaphore, #tpu.memory_space<semaphore_mem>>
          %dma_start3A_60 = arith.constant 0 : i32
          %dma_start3A_61 = tpu.memref_slice %arg4[%add3A_59, %dma_start3A_60] : memref<204800x256xf32, #tpu.memory_space<hbm>> -> memref<128x256xf32, #tpu.memory_space<hbm>>
          %dma_start3A_62 = arith.constant 0 : i32
          %dma_start3A_63 = tpu.memref_slice %arg4[%add3A_59, %dma_start3A_62] : memref<204800x256xf32, #tpu.memory_space<hbm>> -> memref<128x256xf32, #tpu.memory_space<hbm>>
          tpu.enqueue_dma source(%arg7 : memref<128x256xf32, #tpu.memory_space<vmem>>) target(%dma_start3A_63 : memref<128x256xf32, #tpu.memory_space<hbm>>) target_semaphore(%run_scoped3A : memref<!tpu.dma_semaphore, #tpu.memory_space<semaphore_mem>>)
          %dma_wait3A_64 = arith.constant 0 : i32
          %dma_wait3A_65 = tpu.memref_slice %arg4[%add3A_59, %dma_wait3A_64] : memref<204800x256xf32, #tpu.memory_space<hbm>> -> memref<128x256xf32, #tpu.memory_space<hbm>>
          %dma_wait3A_66 = arith.constant 0 : i32
          %dma_wait3A_67 = tpu.memref_slice %arg4[%add3A_59, %dma_wait3A_66] : memref<204800x256xf32, #tpu.memory_space<hbm>> -> memref<128x256xf32, #tpu.memory_space<hbm>>
          tpu.wait_dma2 semaphore(%run_scoped3A : memref<!tpu.dma_semaphore, #tpu.memory_space<semaphore_mem>>) src(%arg7 : memref<128x256xf32, #tpu.memory_space<vmem>>) dst(%dma_wait3A_67 : memref<128x256xf32, #tpu.memory_space<hbm>>)
          tpu.yield
        }) : () -> ()
      } else {
      }
    }
    %scan3A_11 = arith.constant 50 : i32
    return
  }
}

#map = affine_map<(d0, d1) -> (0)>
#map1 = affine_map<(d0, d1) -> (0, 0)>
module attributes {stable_mosaic.version = 14 : i64} {
  func.func @_attr_gather_body(%arg0: i32, %arg1: i32, %arg2: memref<102400xi32, #tpu.memory_space<hbm>>, %arg3: memref<102400xi32, #tpu.memory_space<hbm>>, %arg4: memref<102400xi32, #tpu.memory_space<hbm>>, %arg5: memref<2000x128xf32, #tpu.memory_space<hbm>>, %arg6: memref<50000x128xf32, #tpu.memory_space<hbm>>, %arg7: memref<30000x128xf32, #tpu.memory_space<hbm>>, %arg8: memref<102400x128xf32, #tpu.memory_space<hbm>>, %arg9: memref<102400x128xf32, #tpu.memory_space<hbm>>, %arg10: memref<102400x128xf32, #tpu.memory_space<hbm>>, %arg11: memref<3200xi32, #tpu.memory_space<vmem>>, %arg12: memref<3200xi32, #tpu.memory_space<vmem>>, %arg13: memref<3200xi32, #tpu.memory_space<vmem>>, %arg14: memref<128x128xf32, #tpu.memory_space<vmem>>, %arg15: memref<128x128xf32, #tpu.memory_space<vmem>>, %arg16: memref<128x128xf32, #tpu.memory_space<vmem>>, %arg17: memref<128x128xf32, #tpu.memory_space<vmem>>, %arg18: memref<128x128xf32, #tpu.memory_space<vmem>>, %arg19: memref<128x128xf32, #tpu.memory_space<vmem>>, %arg20: memref<!tpu.dma_semaphore, #tpu.memory_space<semaphore_mem>>, %arg21: memref<!tpu.dma_semaphore, #tpu.memory_space<semaphore_mem>>) attributes {dimension_semantics = [#tpu.dimension_semantics<core_parallel>, #tpu.dimension_semantics<subcore_parallel>], iteration_bounds = array<i64: 2, 16>, scalar_prefetch = 0 : i64, scratch_operands = 11 : i64, tpu.core_type = #tpu.core_type<sc_vector_subcore>, window_params = [{transform_indices = #map}, {transform_indices = #map}, {transform_indices = #map}, {transform_indices = #map1}, {transform_indices = #map1}, {transform_indices = #map1}, {transform_indices = #map1}, {transform_indices = #map1}, {transform_indices = #map1}]} {
    %mul3A = arith.constant 2 : i32
    %mul3A_0 = arith.muli %arg1, %mul3A : i32
    %add3A = arith.addi %mul3A_0, %arg0 : i32
    %mul3A_1 = arith.constant 3200 : i32
    %mul3A_2 = arith.muli %add3A, %mul3A_1 : i32
    "tpu.region"() ({
      %run_scoped3A = tpu.sem_alloc : memref<!tpu.dma_semaphore, #tpu.memory_space<semaphore_mem>>
      %dma_start3A_22 = tpu.memref_slice %arg2[%mul3A_2] : memref<102400xi32, #tpu.memory_space<hbm>> -> memref<3200xi32, #tpu.memory_space<hbm>>
      %dma_start3A_23 = tpu.memref_slice %arg2[%mul3A_2] : memref<102400xi32, #tpu.memory_space<hbm>> -> memref<3200xi32, #tpu.memory_space<hbm>>
      tpu.enqueue_dma source(%dma_start3A_23 : memref<3200xi32, #tpu.memory_space<hbm>>) target(%arg11 : memref<3200xi32, #tpu.memory_space<vmem>>) target_semaphore(%run_scoped3A : memref<!tpu.dma_semaphore, #tpu.memory_space<semaphore_mem>>)
      %dma_wait3A = tpu.memref_slice %arg2[%mul3A_2] : memref<102400xi32, #tpu.memory_space<hbm>> -> memref<3200xi32, #tpu.memory_space<hbm>>
      %dma_wait3A_24 = tpu.memref_slice %arg2[%mul3A_2] : memref<102400xi32, #tpu.memory_space<hbm>> -> memref<3200xi32, #tpu.memory_space<hbm>>
      tpu.wait_dma2 semaphore(%run_scoped3A : memref<!tpu.dma_semaphore, #tpu.memory_space<semaphore_mem>>) src(%dma_wait3A_24 : memref<3200xi32, #tpu.memory_space<hbm>>) dst(%arg11 : memref<3200xi32, #tpu.memory_space<vmem>>)
      tpu.yield
    }) : () -> ()
    "tpu.region"() ({
      %run_scoped3A = tpu.sem_alloc : memref<!tpu.dma_semaphore, #tpu.memory_space<semaphore_mem>>
      %dma_start3A_22 = tpu.memref_slice %arg3[%mul3A_2] : memref<102400xi32, #tpu.memory_space<hbm>> -> memref<3200xi32, #tpu.memory_space<hbm>>
      %dma_start3A_23 = tpu.memref_slice %arg3[%mul3A_2] : memref<102400xi32, #tpu.memory_space<hbm>> -> memref<3200xi32, #tpu.memory_space<hbm>>
      tpu.enqueue_dma source(%dma_start3A_23 : memref<3200xi32, #tpu.memory_space<hbm>>) target(%arg12 : memref<3200xi32, #tpu.memory_space<vmem>>) target_semaphore(%run_scoped3A : memref<!tpu.dma_semaphore, #tpu.memory_space<semaphore_mem>>)
      %dma_wait3A = tpu.memref_slice %arg3[%mul3A_2] : memref<102400xi32, #tpu.memory_space<hbm>> -> memref<3200xi32, #tpu.memory_space<hbm>>
      %dma_wait3A_24 = tpu.memref_slice %arg3[%mul3A_2] : memref<102400xi32, #tpu.memory_space<hbm>> -> memref<3200xi32, #tpu.memory_space<hbm>>
      tpu.wait_dma2 semaphore(%run_scoped3A : memref<!tpu.dma_semaphore, #tpu.memory_space<semaphore_mem>>) src(%dma_wait3A_24 : memref<3200xi32, #tpu.memory_space<hbm>>) dst(%arg12 : memref<3200xi32, #tpu.memory_space<vmem>>)
      tpu.yield
    }) : () -> ()
    "tpu.region"() ({
      %run_scoped3A = tpu.sem_alloc : memref<!tpu.dma_semaphore, #tpu.memory_space<semaphore_mem>>
      %dma_start3A_22 = tpu.memref_slice %arg4[%mul3A_2] : memref<102400xi32, #tpu.memory_space<hbm>> -> memref<3200xi32, #tpu.memory_space<hbm>>
      %dma_start3A_23 = tpu.memref_slice %arg4[%mul3A_2] : memref<102400xi32, #tpu.memory_space<hbm>> -> memref<3200xi32, #tpu.memory_space<hbm>>
      tpu.enqueue_dma source(%dma_start3A_23 : memref<3200xi32, #tpu.memory_space<hbm>>) target(%arg13 : memref<3200xi32, #tpu.memory_space<vmem>>) target_semaphore(%run_scoped3A : memref<!tpu.dma_semaphore, #tpu.memory_space<semaphore_mem>>)
      %dma_wait3A = tpu.memref_slice %arg4[%mul3A_2] : memref<102400xi32, #tpu.memory_space<hbm>> -> memref<3200xi32, #tpu.memory_space<hbm>>
      %dma_wait3A_24 = tpu.memref_slice %arg4[%mul3A_2] : memref<102400xi32, #tpu.memory_space<hbm>> -> memref<3200xi32, #tpu.memory_space<hbm>>
      tpu.wait_dma2 semaphore(%run_scoped3A : memref<!tpu.dma_semaphore, #tpu.memory_space<semaphore_mem>>) src(%dma_wait3A_24 : memref<3200xi32, #tpu.memory_space<hbm>>) dst(%arg13 : memref<3200xi32, #tpu.memory_space<vmem>>)
      tpu.yield
    }) : () -> ()
    %dma_start3A = arith.constant 0 : i32
    %dma_start3A_3 = tpu.memref_slice %arg11[%dma_start3A] : memref<3200xi32, #tpu.memory_space<vmem>> -> memref<128xi32, #tpu.memory_space<vmem>>
    %dma_start3A_4 = arith.constant 0 : i32
    %dma_start3A_5 = arith.constant 0 : i32
    %dma_start3A_6 = tpu.memref_slice %arg5[%dma_start3A_4, %dma_start3A_5] : memref<2000x128xf32, #tpu.memory_space<hbm>> -> memref<2000x128xf32, #tpu.memory_space<hbm>>
    tpu.enqueue_indirect_dma source(%dma_start3A_6 : memref<2000x128xf32, #tpu.memory_space<hbm>>) target(%arg14 : memref<128x128xf32, #tpu.memory_space<vmem>>) offsets(%dma_start3A_3 : memref<128xi32, #tpu.memory_space<vmem>>) semaphore(%arg20 : memref<!tpu.dma_semaphore, #tpu.memory_space<semaphore_mem>>)
    %dma_start3A_7 = arith.constant 0 : i32
    %dma_start3A_8 = tpu.memref_slice %arg12[%dma_start3A_7] : memref<3200xi32, #tpu.memory_space<vmem>> -> memref<128xi32, #tpu.memory_space<vmem>>
    %dma_start3A_9 = arith.constant 0 : i32
    %dma_start3A_10 = arith.constant 0 : i32
    %dma_start3A_11 = tpu.memref_slice %arg6[%dma_start3A_9, %dma_start3A_10] : memref<50000x128xf32, #tpu.memory_space<hbm>> -> memref<50000x128xf32, #tpu.memory_space<hbm>>
    tpu.enqueue_indirect_dma source(%dma_start3A_11 : memref<50000x128xf32, #tpu.memory_space<hbm>>) target(%arg15 : memref<128x128xf32, #tpu.memory_space<vmem>>) offsets(%dma_start3A_8 : memref<128xi32, #tpu.memory_space<vmem>>) semaphore(%arg20 : memref<!tpu.dma_semaphore, #tpu.memory_space<semaphore_mem>>)
    %dma_start3A_12 = arith.constant 0 : i32
    %dma_start3A_13 = tpu.memref_slice %arg13[%dma_start3A_12] : memref<3200xi32, #tpu.memory_space<vmem>> -> memref<128xi32, #tpu.memory_space<vmem>>
    %dma_start3A_14 = arith.constant 0 : i32
    %dma_start3A_15 = arith.constant 0 : i32
    %dma_start3A_16 = tpu.memref_slice %arg7[%dma_start3A_14, %dma_start3A_15] : memref<30000x128xf32, #tpu.memory_space<hbm>> -> memref<30000x128xf32, #tpu.memory_space<hbm>>
    tpu.enqueue_indirect_dma source(%dma_start3A_16 : memref<30000x128xf32, #tpu.memory_space<hbm>>) target(%arg16 : memref<128x128xf32, #tpu.memory_space<vmem>>) offsets(%dma_start3A_13 : memref<128xi32, #tpu.memory_space<vmem>>) semaphore(%arg20 : memref<!tpu.dma_semaphore, #tpu.memory_space<semaphore_mem>>)
    %scan3A = arith.constant 0 : i32
    %scan3A_17 = arith.constant 0 : i32
    %scan3A_18 = arith.constant 25 : i32
    %scan3A_19 = arith.addi %scan3A_17, %scan3A_18 : i32
    %scan3A_20 = arith.constant 1 : i32
    scf.for %scan3A_22 = %scan3A_17 to %scan3A_19 step %scan3A_20  : i32 {
      %jit3A = arith.constant 2 : i32
      %eq3A = arith.constant 0 : i32
      %eq3A_23 = arith.cmpi eq, %jit3A, %eq3A : i32
      %jit3A_24 = arith.constant 1 : i32
      %select_n3A = arith.select %eq3A_23, %jit3A_24, %jit3A : i32
      %rem3A = arith.remsi %scan3A_22, %select_n3A : i32
      %ne3A = arith.constant 0 : i32
      %ne3A_25 = arith.cmpi ne, %rem3A, %ne3A : i32
      %lt3A = arith.constant 0 : i32
      %lt3A_26 = arith.cmpi slt, %rem3A, %lt3A : i32
      %lt3A_27 = arith.constant 0 : i32
      %lt3A_28 = arith.cmpi slt, %select_n3A, %lt3A_27 : i32
      %ne3A_29 = arith.xori %lt3A_26, %lt3A_28 : i1
      %and3A = arith.andi %ne3A_29, %ne3A_25 : i1
      %add3A_30 = arith.addi %rem3A, %select_n3A : i32
      %select_n3A_31 = arith.select %and3A, %add3A_30, %rem3A : i32
      %eq3A_32 = arith.constant 0 : i32
      %eq3A_33 = arith.cmpi eq, %select_n3A_31, %eq3A_32 : i32
      %convert_element_type3A = arith.extui %eq3A_33 : i1 to i32
      %cond3A = arith.constant 0 : i32
      %cond3A_34 = arith.cmpi ne, %convert_element_type3A, %cond3A : i32
      scf.if %cond3A_34 {
        %add3A_56 = arith.constant 1 : i32
        %add3A_57 = arith.addi %scan3A_22, %add3A_56 : i32
        %lt3A_58 = arith.constant 25 : i32
        %lt3A_59 = arith.cmpi slt, %add3A_57, %lt3A_58 : i32
        %convert_element_type3A_60 = arith.extui %lt3A_59 : i1 to i32
        %cond3A_61 = arith.constant 0 : i32
        %cond3A_62 = arith.cmpi ne, %convert_element_type3A_60, %cond3A_61 : i32
        scf.if %cond3A_62 {
          %add3A_80 = arith.constant 1 : i32
          %add3A_81 = arith.addi %scan3A_22, %add3A_80 : i32
          %mul3A_82 = arith.constant 128 : i32
          %mul3A_83 = arith.muli %add3A_81, %mul3A_82 : i32
          %dma_start3A_84 = tpu.memref_slice %arg11[%mul3A_83] : memref<3200xi32, #tpu.memory_space<vmem>> -> memref<128xi32, #tpu.memory_space<vmem>>
          %dma_start3A_85 = arith.constant 0 : i32
          %dma_start3A_86 = arith.constant 0 : i32
          %dma_start3A_87 = tpu.memref_slice %arg5[%dma_start3A_85, %dma_start3A_86] : memref<2000x128xf32, #tpu.memory_space<hbm>> -> memref<2000x128xf32, #tpu.memory_space<hbm>>
          tpu.enqueue_indirect_dma source(%dma_start3A_87 : memref<2000x128xf32, #tpu.memory_space<hbm>>) target(%arg17 : memref<128x128xf32, #tpu.memory_space<vmem>>) offsets(%dma_start3A_84 : memref<128xi32, #tpu.memory_space<vmem>>) semaphore(%arg21 : memref<!tpu.dma_semaphore, #tpu.memory_space<semaphore_mem>>)
          %dma_start3A_88 = tpu.memref_slice %arg12[%mul3A_83] : memref<3200xi32, #tpu.memory_space<vmem>> -> memref<128xi32, #tpu.memory_space<vmem>>
          %dma_start3A_89 = arith.constant 0 : i32
          %dma_start3A_90 = arith.constant 0 : i32
          %dma_start3A_91 = tpu.memref_slice %arg6[%dma_start3A_89, %dma_start3A_90] : memref<50000x128xf32, #tpu.memory_space<hbm>> -> memref<50000x128xf32, #tpu.memory_space<hbm>>
          tpu.enqueue_indirect_dma source(%dma_start3A_91 : memref<50000x128xf32, #tpu.memory_space<hbm>>) target(%arg18 : memref<128x128xf32, #tpu.memory_space<vmem>>) offsets(%dma_start3A_88 : memref<128xi32, #tpu.memory_space<vmem>>) semaphore(%arg21 : memref<!tpu.dma_semaphore, #tpu.memory_space<semaphore_mem>>)
          %dma_start3A_92 = tpu.memref_slice %arg13[%mul3A_83] : memref<3200xi32, #tpu.memory_space<vmem>> -> memref<128xi32, #tpu.memory_space<vmem>>
          %dma_start3A_93 = arith.constant 0 : i32
          %dma_start3A_94 = arith.constant 0 : i32
          %dma_start3A_95 = tpu.memref_slice %arg7[%dma_start3A_93, %dma_start3A_94] : memref<30000x128xf32, #tpu.memory_space<hbm>> -> memref<30000x128xf32, #tpu.memory_space<hbm>>
          tpu.enqueue_indirect_dma source(%dma_start3A_95 : memref<30000x128xf32, #tpu.memory_space<hbm>>) target(%arg19 : memref<128x128xf32, #tpu.memory_space<vmem>>) offsets(%dma_start3A_92 : memref<128xi32, #tpu.memory_space<vmem>>) semaphore(%arg21 : memref<!tpu.dma_semaphore, #tpu.memory_space<semaphore_mem>>)
        } else {
        }
        %mul3A_63 = arith.constant 128 : i32
        %mul3A_64 = arith.muli %scan3A_22, %mul3A_63 : i32
        %add3A_65 = arith.addi %mul3A_2, %mul3A_64 : i32
        %dma_wait3A = arith.constant 0 : i32
        %dma_wait3A_66 = tpu.memref_slice %arg11[%dma_wait3A] : memref<3200xi32, #tpu.memory_space<vmem>> -> memref<128xi32, #tpu.memory_space<vmem>>
        %dma_wait3A_67 = arith.constant 0 : i32
        %dma_wait3A_68 = arith.constant 0 : i32
        %dma_wait3A_69 = tpu.memref_slice %arg5[%dma_wait3A_67, %dma_wait3A_68] : memref<2000x128xf32, #tpu.memory_space<hbm>> -> memref<2000x128xf32, #tpu.memory_space<hbm>>
        tpu.wait_indirect_dma semaphore(%arg20 : memref<!tpu.dma_semaphore, #tpu.memory_space<semaphore_mem>>) src(%dma_wait3A_69 : memref<2000x128xf32, #tpu.memory_space<hbm>>) dst(%arg14 : memref<128x128xf32, #tpu.memory_space<vmem>>)
        %dma_wait3A_70 = arith.constant 0 : i32
        %dma_wait3A_71 = tpu.memref_slice %arg12[%dma_wait3A_70] : memref<3200xi32, #tpu.memory_space<vmem>> -> memref<128xi32, #tpu.memory_space<vmem>>
        %dma_wait3A_72 = arith.constant 0 : i32
        %dma_wait3A_73 = arith.constant 0 : i32
        %dma_wait3A_74 = tpu.memref_slice %arg6[%dma_wait3A_72, %dma_wait3A_73] : memref<50000x128xf32, #tpu.memory_space<hbm>> -> memref<50000x128xf32, #tpu.memory_space<hbm>>
        tpu.wait_indirect_dma semaphore(%arg20 : memref<!tpu.dma_semaphore, #tpu.memory_space<semaphore_mem>>) src(%dma_wait3A_74 : memref<50000x128xf32, #tpu.memory_space<hbm>>) dst(%arg15 : memref<128x128xf32, #tpu.memory_space<vmem>>)
        %dma_wait3A_75 = arith.constant 0 : i32
        %dma_wait3A_76 = tpu.memref_slice %arg13[%dma_wait3A_75] : memref<3200xi32, #tpu.memory_space<vmem>> -> memref<128xi32, #tpu.memory_space<vmem>>
        %dma_wait3A_77 = arith.constant 0 : i32
        %dma_wait3A_78 = arith.constant 0 : i32
        %dma_wait3A_79 = tpu.memref_slice %arg7[%dma_wait3A_77, %dma_wait3A_78] : memref<30000x128xf32, #tpu.memory_space<hbm>> -> memref<30000x128xf32, #tpu.memory_space<hbm>>
        tpu.wait_indirect_dma semaphore(%arg20 : memref<!tpu.dma_semaphore, #tpu.memory_space<semaphore_mem>>) src(%dma_wait3A_79 : memref<30000x128xf32, #tpu.memory_space<hbm>>) dst(%arg16 : memref<128x128xf32, #tpu.memory_space<vmem>>)
        "tpu.region"() ({
          %run_scoped3A = tpu.sem_alloc : memref<!tpu.dma_semaphore, #tpu.memory_space<semaphore_mem>>
          %dma_start3A_80 = arith.constant 0 : i32
          %dma_start3A_81 = tpu.memref_slice %arg8[%add3A_65, %dma_start3A_80] : memref<102400x128xf32, #tpu.memory_space<hbm>> -> memref<128x128xf32, #tpu.memory_space<hbm>>
          %dma_start3A_82 = arith.constant 0 : i32
          %dma_start3A_83 = tpu.memref_slice %arg8[%add3A_65, %dma_start3A_82] : memref<102400x128xf32, #tpu.memory_space<hbm>> -> memref<128x128xf32, #tpu.memory_space<hbm>>
          tpu.enqueue_dma source(%arg14 : memref<128x128xf32, #tpu.memory_space<vmem>>) target(%dma_start3A_83 : memref<128x128xf32, #tpu.memory_space<hbm>>) target_semaphore(%run_scoped3A : memref<!tpu.dma_semaphore, #tpu.memory_space<semaphore_mem>>)
          %dma_wait3A_84 = arith.constant 0 : i32
          %dma_wait3A_85 = tpu.memref_slice %arg8[%add3A_65, %dma_wait3A_84] : memref<102400x128xf32, #tpu.memory_space<hbm>> -> memref<128x128xf32, #tpu.memory_space<hbm>>
          %dma_wait3A_86 = arith.constant 0 : i32
          %dma_wait3A_87 = tpu.memref_slice %arg8[%add3A_65, %dma_wait3A_86] : memref<102400x128xf32, #tpu.memory_space<hbm>> -> memref<128x128xf32, #tpu.memory_space<hbm>>
          tpu.wait_dma2 semaphore(%run_scoped3A : memref<!tpu.dma_semaphore, #tpu.memory_space<semaphore_mem>>) src(%arg14 : memref<128x128xf32, #tpu.memory_space<vmem>>) dst(%dma_wait3A_87 : memref<128x128xf32, #tpu.memory_space<hbm>>)
          tpu.yield
        }) : () -> ()
        "tpu.region"() ({
          %run_scoped3A = tpu.sem_alloc : memref<!tpu.dma_semaphore, #tpu.memory_space<semaphore_mem>>
          %dma_start3A_80 = arith.constant 0 : i32
          %dma_start3A_81 = tpu.memref_slice %arg9[%add3A_65, %dma_start3A_80] : memref<102400x128xf32, #tpu.memory_space<hbm>> -> memref<128x128xf32, #tpu.memory_space<hbm>>
          %dma_start3A_82 = arith.constant 0 : i32
          %dma_start3A_83 = tpu.memref_slice %arg9[%add3A_65, %dma_start3A_82] : memref<102400x128xf32, #tpu.memory_space<hbm>> -> memref<128x128xf32, #tpu.memory_space<hbm>>
          tpu.enqueue_dma source(%arg15 : memref<128x128xf32, #tpu.memory_space<vmem>>) target(%dma_start3A_83 : memref<128x128xf32, #tpu.memory_space<hbm>>) target_semaphore(%run_scoped3A : memref<!tpu.dma_semaphore, #tpu.memory_space<semaphore_mem>>)
          %dma_wait3A_84 = arith.constant 0 : i32
          %dma_wait3A_85 = tpu.memref_slice %arg9[%add3A_65, %dma_wait3A_84] : memref<102400x128xf32, #tpu.memory_space<hbm>> -> memref<128x128xf32, #tpu.memory_space<hbm>>
          %dma_wait3A_86 = arith.constant 0 : i32
          %dma_wait3A_87 = tpu.memref_slice %arg9[%add3A_65, %dma_wait3A_86] : memref<102400x128xf32, #tpu.memory_space<hbm>> -> memref<128x128xf32, #tpu.memory_space<hbm>>
          tpu.wait_dma2 semaphore(%run_scoped3A : memref<!tpu.dma_semaphore, #tpu.memory_space<semaphore_mem>>) src(%arg15 : memref<128x128xf32, #tpu.memory_space<vmem>>) dst(%dma_wait3A_87 : memref<128x128xf32, #tpu.memory_space<hbm>>)
          tpu.yield
        }) : () -> ()
        "tpu.region"() ({
          %run_scoped3A = tpu.sem_alloc : memref<!tpu.dma_semaphore, #tpu.memory_space<semaphore_mem>>
          %dma_start3A_80 = arith.constant 0 : i32
          %dma_start3A_81 = tpu.memref_slice %arg10[%add3A_65, %dma_start3A_80] : memref<102400x128xf32, #tpu.memory_space<hbm>> -> memref<128x128xf32, #tpu.memory_space<hbm>>
          %dma_start3A_82 = arith.constant 0 : i32
          %dma_start3A_83 = tpu.memref_slice %arg10[%add3A_65, %dma_start3A_82] : memref<102400x128xf32, #tpu.memory_space<hbm>> -> memref<128x128xf32, #tpu.memory_space<hbm>>
          tpu.enqueue_dma source(%arg16 : memref<128x128xf32, #tpu.memory_space<vmem>>) target(%dma_start3A_83 : memref<128x128xf32, #tpu.memory_space<hbm>>) target_semaphore(%run_scoped3A : memref<!tpu.dma_semaphore, #tpu.memory_space<semaphore_mem>>)
          %dma_wait3A_84 = arith.constant 0 : i32
          %dma_wait3A_85 = tpu.memref_slice %arg10[%add3A_65, %dma_wait3A_84] : memref<102400x128xf32, #tpu.memory_space<hbm>> -> memref<128x128xf32, #tpu.memory_space<hbm>>
          %dma_wait3A_86 = arith.constant 0 : i32
          %dma_wait3A_87 = tpu.memref_slice %arg10[%add3A_65, %dma_wait3A_86] : memref<102400x128xf32, #tpu.memory_space<hbm>> -> memref<128x128xf32, #tpu.memory_space<hbm>>
          tpu.wait_dma2 semaphore(%run_scoped3A : memref<!tpu.dma_semaphore, #tpu.memory_space<semaphore_mem>>) src(%arg16 : memref<128x128xf32, #tpu.memory_space<vmem>>) dst(%dma_wait3A_87 : memref<128x128xf32, #tpu.memory_space<hbm>>)
          tpu.yield
        }) : () -> ()
      } else {
      }
      %jit3A_35 = arith.constant 2 : i32
      %eq3A_36 = arith.constant 0 : i32
      %eq3A_37 = arith.cmpi eq, %jit3A_35, %eq3A_36 : i32
      %jit3A_38 = arith.constant 1 : i32
      %select_n3A_39 = arith.select %eq3A_37, %jit3A_38, %jit3A_35 : i32
      %rem3A_40 = arith.remsi %scan3A_22, %select_n3A_39 : i32
      %ne3A_41 = arith.constant 0 : i32
      %ne3A_42 = arith.cmpi ne, %rem3A_40, %ne3A_41 : i32
      %lt3A_43 = arith.constant 0 : i32
      %lt3A_44 = arith.cmpi slt, %rem3A_40, %lt3A_43 : i32
      %lt3A_45 = arith.constant 0 : i32
      %lt3A_46 = arith.cmpi slt, %select_n3A_39, %lt3A_45 : i32
      %ne3A_47 = arith.xori %lt3A_44, %lt3A_46 : i1
      %and3A_48 = arith.andi %ne3A_47, %ne3A_42 : i1
      %add3A_49 = arith.addi %rem3A_40, %select_n3A_39 : i32
      %select_n3A_50 = arith.select %and3A_48, %add3A_49, %rem3A_40 : i32
      %eq3A_51 = arith.constant 1 : i32
      %eq3A_52 = arith.cmpi eq, %select_n3A_50, %eq3A_51 : i32
      %convert_element_type3A_53 = arith.extui %eq3A_52 : i1 to i32
      %cond3A_54 = arith.constant 0 : i32
      %cond3A_55 = arith.cmpi ne, %convert_element_type3A_53, %cond3A_54 : i32
      scf.if %cond3A_55 {
        %add3A_56 = arith.constant 1 : i32
        %add3A_57 = arith.addi %scan3A_22, %add3A_56 : i32
        %lt3A_58 = arith.constant 25 : i32
        %lt3A_59 = arith.cmpi slt, %add3A_57, %lt3A_58 : i32
        %convert_element_type3A_60 = arith.extui %lt3A_59 : i1 to i32
        %cond3A_61 = arith.constant 0 : i32
        %cond3A_62 = arith.cmpi ne, %convert_element_type3A_60, %cond3A_61 : i32
        scf.if %cond3A_62 {
          %add3A_80 = arith.constant 1 : i32
          %add3A_81 = arith.addi %scan3A_22, %add3A_80 : i32
          %mul3A_82 = arith.constant 128 : i32
          %mul3A_83 = arith.muli %add3A_81, %mul3A_82 : i32
          %dma_start3A_84 = tpu.memref_slice %arg11[%mul3A_83] : memref<3200xi32, #tpu.memory_space<vmem>> -> memref<128xi32, #tpu.memory_space<vmem>>
          %dma_start3A_85 = arith.constant 0 : i32
          %dma_start3A_86 = arith.constant 0 : i32
          %dma_start3A_87 = tpu.memref_slice %arg5[%dma_start3A_85, %dma_start3A_86] : memref<2000x128xf32, #tpu.memory_space<hbm>> -> memref<2000x128xf32, #tpu.memory_space<hbm>>
          tpu.enqueue_indirect_dma source(%dma_start3A_87 : memref<2000x128xf32, #tpu.memory_space<hbm>>) target(%arg14 : memref<128x128xf32, #tpu.memory_space<vmem>>) offsets(%dma_start3A_84 : memref<128xi32, #tpu.memory_space<vmem>>) semaphore(%arg20 : memref<!tpu.dma_semaphore, #tpu.memory_space<semaphore_mem>>)
          %dma_start3A_88 = tpu.memref_slice %arg12[%mul3A_83] : memref<3200xi32, #tpu.memory_space<vmem>> -> memref<128xi32, #tpu.memory_space<vmem>>
          %dma_start3A_89 = arith.constant 0 : i32
          %dma_start3A_90 = arith.constant 0 : i32
          %dma_start3A_91 = tpu.memref_slice %arg6[%dma_start3A_89, %dma_start3A_90] : memref<50000x128xf32, #tpu.memory_space<hbm>> -> memref<50000x128xf32, #tpu.memory_space<hbm>>
          tpu.enqueue_indirect_dma source(%dma_start3A_91 : memref<50000x128xf32, #tpu.memory_space<hbm>>) target(%arg15 : memref<128x128xf32, #tpu.memory_space<vmem>>) offsets(%dma_start3A_88 : memref<128xi32, #tpu.memory_space<vmem>>) semaphore(%arg20 : memref<!tpu.dma_semaphore, #tpu.memory_space<semaphore_mem>>)
          %dma_start3A_92 = tpu.memref_slice %arg13[%mul3A_83] : memref<3200xi32, #tpu.memory_space<vmem>> -> memref<128xi32, #tpu.memory_space<vmem>>
          %dma_start3A_93 = arith.constant 0 : i32
          %dma_start3A_94 = arith.constant 0 : i32
          %dma_start3A_95 = tpu.memref_slice %arg7[%dma_start3A_93, %dma_start3A_94] : memref<30000x128xf32, #tpu.memory_space<hbm>> -> memref<30000x128xf32, #tpu.memory_space<hbm>>
          tpu.enqueue_indirect_dma source(%dma_start3A_95 : memref<30000x128xf32, #tpu.memory_space<hbm>>) target(%arg16 : memref<128x128xf32, #tpu.memory_space<vmem>>) offsets(%dma_start3A_92 : memref<128xi32, #tpu.memory_space<vmem>>) semaphore(%arg20 : memref<!tpu.dma_semaphore, #tpu.memory_space<semaphore_mem>>)
        } else {
        }
        %mul3A_63 = arith.constant 128 : i32
        %mul3A_64 = arith.muli %scan3A_22, %mul3A_63 : i32
        %add3A_65 = arith.addi %mul3A_2, %mul3A_64 : i32
        %dma_wait3A = arith.constant 0 : i32
        %dma_wait3A_66 = tpu.memref_slice %arg11[%dma_wait3A] : memref<3200xi32, #tpu.memory_space<vmem>> -> memref<128xi32, #tpu.memory_space<vmem>>
        %dma_wait3A_67 = arith.constant 0 : i32
        %dma_wait3A_68 = arith.constant 0 : i32
        %dma_wait3A_69 = tpu.memref_slice %arg5[%dma_wait3A_67, %dma_wait3A_68] : memref<2000x128xf32, #tpu.memory_space<hbm>> -> memref<2000x128xf32, #tpu.memory_space<hbm>>
        tpu.wait_indirect_dma semaphore(%arg21 : memref<!tpu.dma_semaphore, #tpu.memory_space<semaphore_mem>>) src(%dma_wait3A_69 : memref<2000x128xf32, #tpu.memory_space<hbm>>) dst(%arg17 : memref<128x128xf32, #tpu.memory_space<vmem>>)
        %dma_wait3A_70 = arith.constant 0 : i32
        %dma_wait3A_71 = tpu.memref_slice %arg12[%dma_wait3A_70] : memref<3200xi32, #tpu.memory_space<vmem>> -> memref<128xi32, #tpu.memory_space<vmem>>
        %dma_wait3A_72 = arith.constant 0 : i32
        %dma_wait3A_73 = arith.constant 0 : i32
        %dma_wait3A_74 = tpu.memref_slice %arg6[%dma_wait3A_72, %dma_wait3A_73] : memref<50000x128xf32, #tpu.memory_space<hbm>> -> memref<50000x128xf32, #tpu.memory_space<hbm>>
        tpu.wait_indirect_dma semaphore(%arg21 : memref<!tpu.dma_semaphore, #tpu.memory_space<semaphore_mem>>) src(%dma_wait3A_74 : memref<50000x128xf32, #tpu.memory_space<hbm>>) dst(%arg18 : memref<128x128xf32, #tpu.memory_space<vmem>>)
        %dma_wait3A_75 = arith.constant 0 : i32
        %dma_wait3A_76 = tpu.memref_slice %arg13[%dma_wait3A_75] : memref<3200xi32, #tpu.memory_space<vmem>> -> memref<128xi32, #tpu.memory_space<vmem>>
        %dma_wait3A_77 = arith.constant 0 : i32
        %dma_wait3A_78 = arith.constant 0 : i32
        %dma_wait3A_79 = tpu.memref_slice %arg7[%dma_wait3A_77, %dma_wait3A_78] : memref<30000x128xf32, #tpu.memory_space<hbm>> -> memref<30000x128xf32, #tpu.memory_space<hbm>>
        tpu.wait_indirect_dma semaphore(%arg21 : memref<!tpu.dma_semaphore, #tpu.memory_space<semaphore_mem>>) src(%dma_wait3A_79 : memref<30000x128xf32, #tpu.memory_space<hbm>>) dst(%arg19 : memref<128x128xf32, #tpu.memory_space<vmem>>)
        "tpu.region"() ({
          %run_scoped3A = tpu.sem_alloc : memref<!tpu.dma_semaphore, #tpu.memory_space<semaphore_mem>>
          %dma_start3A_80 = arith.constant 0 : i32
          %dma_start3A_81 = tpu.memref_slice %arg8[%add3A_65, %dma_start3A_80] : memref<102400x128xf32, #tpu.memory_space<hbm>> -> memref<128x128xf32, #tpu.memory_space<hbm>>
          %dma_start3A_82 = arith.constant 0 : i32
          %dma_start3A_83 = tpu.memref_slice %arg8[%add3A_65, %dma_start3A_82] : memref<102400x128xf32, #tpu.memory_space<hbm>> -> memref<128x128xf32, #tpu.memory_space<hbm>>
          tpu.enqueue_dma source(%arg17 : memref<128x128xf32, #tpu.memory_space<vmem>>) target(%dma_start3A_83 : memref<128x128xf32, #tpu.memory_space<hbm>>) target_semaphore(%run_scoped3A : memref<!tpu.dma_semaphore, #tpu.memory_space<semaphore_mem>>)
          %dma_wait3A_84 = arith.constant 0 : i32
          %dma_wait3A_85 = tpu.memref_slice %arg8[%add3A_65, %dma_wait3A_84] : memref<102400x128xf32, #tpu.memory_space<hbm>> -> memref<128x128xf32, #tpu.memory_space<hbm>>
          %dma_wait3A_86 = arith.constant 0 : i32
          %dma_wait3A_87 = tpu.memref_slice %arg8[%add3A_65, %dma_wait3A_86] : memref<102400x128xf32, #tpu.memory_space<hbm>> -> memref<128x128xf32, #tpu.memory_space<hbm>>
          tpu.wait_dma2 semaphore(%run_scoped3A : memref<!tpu.dma_semaphore, #tpu.memory_space<semaphore_mem>>) src(%arg17 : memref<128x128xf32, #tpu.memory_space<vmem>>) dst(%dma_wait3A_87 : memref<128x128xf32, #tpu.memory_space<hbm>>)
          tpu.yield
        }) : () -> ()
        "tpu.region"() ({
          %run_scoped3A = tpu.sem_alloc : memref<!tpu.dma_semaphore, #tpu.memory_space<semaphore_mem>>
          %dma_start3A_80 = arith.constant 0 : i32
          %dma_start3A_81 = tpu.memref_slice %arg9[%add3A_65, %dma_start3A_80] : memref<102400x128xf32, #tpu.memory_space<hbm>> -> memref<128x128xf32, #tpu.memory_space<hbm>>
          %dma_start3A_82 = arith.constant 0 : i32
          %dma_start3A_83 = tpu.memref_slice %arg9[%add3A_65, %dma_start3A_82] : memref<102400x128xf32, #tpu.memory_space<hbm>> -> memref<128x128xf32, #tpu.memory_space<hbm>>
          tpu.enqueue_dma source(%arg18 : memref<128x128xf32, #tpu.memory_space<vmem>>) target(%dma_start3A_83 : memref<128x128xf32, #tpu.memory_space<hbm>>) target_semaphore(%run_scoped3A : memref<!tpu.dma_semaphore, #tpu.memory_space<semaphore_mem>>)
          %dma_wait3A_84 = arith.constant 0 : i32
          %dma_wait3A_85 = tpu.memref_slice %arg9[%add3A_65, %dma_wait3A_84] : memref<102400x128xf32, #tpu.memory_space<hbm>> -> memref<128x128xf32, #tpu.memory_space<hbm>>
          %dma_wait3A_86 = arith.constant 0 : i32
          %dma_wait3A_87 = tpu.memref_slice %arg9[%add3A_65, %dma_wait3A_86] : memref<102400x128xf32, #tpu.memory_space<hbm>> -> memref<128x128xf32, #tpu.memory_space<hbm>>
          tpu.wait_dma2 semaphore(%run_scoped3A : memref<!tpu.dma_semaphore, #tpu.memory_space<semaphore_mem>>) src(%arg18 : memref<128x128xf32, #tpu.memory_space<vmem>>) dst(%dma_wait3A_87 : memref<128x128xf32, #tpu.memory_space<hbm>>)
          tpu.yield
        }) : () -> ()
        "tpu.region"() ({
          %run_scoped3A = tpu.sem_alloc : memref<!tpu.dma_semaphore, #tpu.memory_space<semaphore_mem>>
          %dma_start3A_80 = arith.constant 0 : i32
          %dma_start3A_81 = tpu.memref_slice %arg10[%add3A_65, %dma_start3A_80] : memref<102400x128xf32, #tpu.memory_space<hbm>> -> memref<128x128xf32, #tpu.memory_space<hbm>>
          %dma_start3A_82 = arith.constant 0 : i32
          %dma_start3A_83 = tpu.memref_slice %arg10[%add3A_65, %dma_start3A_82] : memref<102400x128xf32, #tpu.memory_space<hbm>> -> memref<128x128xf32, #tpu.memory_space<hbm>>
          tpu.enqueue_dma source(%arg19 : memref<128x128xf32, #tpu.memory_space<vmem>>) target(%dma_start3A_83 : memref<128x128xf32, #tpu.memory_space<hbm>>) target_semaphore(%run_scoped3A : memref<!tpu.dma_semaphore, #tpu.memory_space<semaphore_mem>>)
          %dma_wait3A_84 = arith.constant 0 : i32
          %dma_wait3A_85 = tpu.memref_slice %arg10[%add3A_65, %dma_wait3A_84] : memref<102400x128xf32, #tpu.memory_space<hbm>> -> memref<128x128xf32, #tpu.memory_space<hbm>>
          %dma_wait3A_86 = arith.constant 0 : i32
          %dma_wait3A_87 = tpu.memref_slice %arg10[%add3A_65, %dma_wait3A_86] : memref<102400x128xf32, #tpu.memory_space<hbm>> -> memref<128x128xf32, #tpu.memory_space<hbm>>
          tpu.wait_dma2 semaphore(%run_scoped3A : memref<!tpu.dma_semaphore, #tpu.memory_space<semaphore_mem>>) src(%arg19 : memref<128x128xf32, #tpu.memory_space<vmem>>) dst(%dma_wait3A_87 : memref<128x128xf32, #tpu.memory_space<hbm>>)
          tpu.yield
        }) : () -> ()
      } else {
      }
    }
    %scan3A_21 = arith.constant 25 : i32
    return
  }
}

module attributes {stable_mosaic.version = 14 : i64} {
  func.func @_mm_body(%arg0: i32, %arg1: memref<800x128xf32, #tpu.memory_space<vmem>>, %arg2: memref<800x128xf32, #tpu.memory_space<vmem>>, %arg3: memref<800x128xf32, #tpu.memory_space<vmem>>, %arg4: memref<800x128xf32, #tpu.memory_space<vmem>>, %arg5: memref<320x256xf32, #tpu.memory_space<vmem>>, %arg6: memref<1x256xf32, #tpu.memory_space<vmem>>, %arg7: memref<800x256xf32, #tpu.memory_space<vmem>>) attributes {dimension_semantics = [#tpu.dimension_semantics<arbitrary>], iteration_bounds = array<i64: 125>, scalar_prefetch = 0 : i64, scratch_operands = 0 : i64, tpu.core_type = #tpu.core_type<tc>, window_params = [{transform_indices = @transform_0, window_bounds = array<i64: 800, 128>}, {transform_indices = @transform_1, window_bounds = array<i64: 800, 128>}, {transform_indices = @transform_2, window_bounds = array<i64: 800, 128>}, {transform_indices = @transform_3, window_bounds = array<i64: 800, 128>}, {pipeline_mode = #tpu.pipeline_mode<synchronous>, transform_indices = @transform_4, window_bounds = array<i64: 320, 256>}, {pipeline_mode = #tpu.pipeline_mode<synchronous>, transform_indices = @transform_5, window_bounds = array<i64: 1, 256>}, {transform_indices = @transform_6, window_bounds = array<i64: 800, 256>}]} {
    %get3A = arith.constant 0 : index
    %get3A_0 = arith.constant 0 : index
    %get3A_1 = vector.load %arg1[%get3A, %get3A_0] : memref<800x128xf32, #tpu.memory_space<vmem>>, vector<800x128xf32>
    %convert_element_type3A = arith.truncf %get3A_1 : vector<800x128xf32> to vector<800x128xbf16>
    %get3A_2 = arith.constant 0 : index
    %get3A_3 = arith.constant 0 : index
    %get3A_4 = vector.load %arg5[%get3A_2, %get3A_3] : memref<320x256xf32, #tpu.memory_space<vmem>>, vector<128x256xf32>
    %convert_element_type3A_5 = arith.truncf %get3A_4 : vector<128x256xf32> to vector<128x256xbf16>
    %dot_general3A = arith.constant dense<0.000000e+00> : vector<800x256xf32>
    %dot_general3A_6 = tpu.matmul %convert_element_type3A, %convert_element_type3A_5, %dot_general3A {dimension_numbers = #tpu.dot_dimension_numbers<[1], [0], [0], [1], [0, 0, 1, 1], [], []>, transpose_lhs_hint = false} : vector<800x128xbf16>, vector<128x256xbf16>, vector<800x256xf32> -> vector<800x256xf32>
    %get3A_7 = arith.constant 0 : index
    %get3A_8 = arith.constant 0 : index
    %get3A_9 = vector.load %arg2[%get3A_7, %get3A_8] : memref<800x128xf32, #tpu.memory_space<vmem>>, vector<800x64xf32>
    %convert_element_type3A_10 = arith.truncf %get3A_9 : vector<800x64xf32> to vector<800x64xbf16>
    %get3A_11 = arith.constant 128 : index
    %get3A_12 = arith.constant 0 : index
    %get3A_13 = vector.load %arg5[%get3A_11, %get3A_12] : memref<320x256xf32, #tpu.memory_space<vmem>>, vector<64x256xf32>
    %convert_element_type3A_14 = arith.truncf %get3A_13 : vector<64x256xf32> to vector<64x256xbf16>
    %dot_general3A_15 = arith.constant dense<0.000000e+00> : vector<800x256xf32>
    %dot_general3A_16 = tpu.matmul %convert_element_type3A_10, %convert_element_type3A_14, %dot_general3A_15 {dimension_numbers = #tpu.dot_dimension_numbers<[1], [0], [0], [1], [0, 0, 1, 1], [], []>, transpose_lhs_hint = false} : vector<800x64xbf16>, vector<64x256xbf16>, vector<800x256xf32> -> vector<800x256xf32>
    %add3A = arith.addf %dot_general3A_6, %dot_general3A_16 : vector<800x256xf32>
    %get3A_17 = arith.constant 0 : index
    %get3A_18 = arith.constant 0 : index
    %get3A_19 = vector.load %arg3[%get3A_17, %get3A_18] : memref<800x128xf32, #tpu.memory_space<vmem>>, vector<800x64xf32>
    %convert_element_type3A_20 = arith.truncf %get3A_19 : vector<800x64xf32> to vector<800x64xbf16>
    %get3A_21 = arith.constant 192 : index
    %get3A_22 = arith.constant 0 : index
    %get3A_23 = vector.load %arg5[%get3A_21, %get3A_22] : memref<320x256xf32, #tpu.memory_space<vmem>>, vector<64x256xf32>
    %convert_element_type3A_24 = arith.truncf %get3A_23 : vector<64x256xf32> to vector<64x256xbf16>
    %dot_general3A_25 = arith.constant dense<0.000000e+00> : vector<800x256xf32>
    %dot_general3A_26 = tpu.matmul %convert_element_type3A_20, %convert_element_type3A_24, %dot_general3A_25 {dimension_numbers = #tpu.dot_dimension_numbers<[1], [0], [0], [1], [0, 0, 1, 1], [], []>, transpose_lhs_hint = false} : vector<800x64xbf16>, vector<64x256xbf16>, vector<800x256xf32> -> vector<800x256xf32>
    %add3A_27 = arith.addf %add3A, %dot_general3A_26 : vector<800x256xf32>
    %get3A_28 = arith.constant 0 : index
    %get3A_29 = arith.constant 0 : index
    %get3A_30 = vector.load %arg4[%get3A_28, %get3A_29] : memref<800x128xf32, #tpu.memory_space<vmem>>, vector<800x64xf32>
    %convert_element_type3A_31 = arith.truncf %get3A_30 : vector<800x64xf32> to vector<800x64xbf16>
    %get3A_32 = arith.constant 256 : index
    %get3A_33 = arith.constant 0 : index
    %get3A_34 = vector.load %arg5[%get3A_32, %get3A_33] : memref<320x256xf32, #tpu.memory_space<vmem>>, vector<64x256xf32>
    %convert_element_type3A_35 = arith.truncf %get3A_34 : vector<64x256xf32> to vector<64x256xbf16>
    %dot_general3A_36 = arith.constant dense<0.000000e+00> : vector<800x256xf32>
    %dot_general3A_37 = tpu.matmul %convert_element_type3A_31, %convert_element_type3A_35, %dot_general3A_36 {dimension_numbers = #tpu.dot_dimension_numbers<[1], [0], [0], [1], [0, 0, 1, 1], [], []>, transpose_lhs_hint = false} : vector<800x64xbf16>, vector<64x256xbf16>, vector<800x256xf32> -> vector<800x256xf32>
    %add3A_38 = arith.addf %add3A_27, %dot_general3A_37 : vector<800x256xf32>
    %get3A_39 = arith.constant 0 : index
    %get3A_40 = arith.constant 0 : index
    %get3A_41 = vector.load %arg6[%get3A_39, %get3A_40] : memref<1x256xf32, #tpu.memory_space<vmem>>, vector<1x256xf32>
    %add3A_42 = vector.broadcast %get3A_41 : vector<1x256xf32> to vector<800x256xf32>
    %add3A_43 = arith.addf %add3A_38, %add3A_42 : vector<800x256xf32>
    %tanh3A = math.tanh %add3A_43 : vector<800x256xf32>
    %iota3A = tpu.iota {dimensions = array<i32: 0>} : vector<800x256xi32>
    %eq3A = arith.constant 0 : i32
    %eq3A_44 = arith.cmpi eq, %arg0, %eq3A : i32
    %eq3A_45 = arith.constant 0 : i32
    %eq3A_46 = vector.broadcast %eq3A_45 : i32 to vector<800x256xi32>
    %eq3A_47 = arith.cmpi eq, %iota3A, %eq3A_46 : vector<800x256xi32>
    %and3A = vector.broadcast %eq3A_44 : i1 to vector<800x256xi1>
    %and3A_48 = arith.andi %and3A, %eq3A_47 : vector<800x256xi1>
    %jit3A = arith.constant 0.000000e+00 : f32
    %broadcast_in_dim3A = vector.broadcast %jit3A : f32 to vector<800x256xf32>
    %select_n3A = arith.select %and3A_48, %broadcast_in_dim3A, %tanh3A : vector<800x256xi1>, vector<800x256xf32>
    %swap3A = arith.constant 0 : index
    %swap3A_49 = arith.constant 0 : index
    %swap3A_50 = vector.load %arg7[%swap3A, %swap3A_49] : memref<800x256xf32, #tpu.memory_space<vmem>>, vector<800x256xf32>
    tpu.vector_store %arg7[%swap3A, %swap3A_49], %select_n3A {strides = array<i32>} : memref<800x256xf32, #tpu.memory_space<vmem>>, vector<800x256xf32>,
    return
  }
  func.func @transform_0(%arg0: i32) -> (i32, i32) {
    %c0_i32 = arith.constant 0 : i32
    %c0_i32_0 = arith.constant 0 : i32
    return %arg0, %c0_i32 : i32, i32
  }
  func.func @transform_1(%arg0: i32) -> (i32, i32) {
    %c0_i32 = arith.constant 0 : i32
    %c0_i32_0 = arith.constant 0 : i32
    return %arg0, %c0_i32 : i32, i32
  }
  func.func @transform_2(%arg0: i32) -> (i32, i32) {
    %c0_i32 = arith.constant 0 : i32
    %c0_i32_0 = arith.constant 0 : i32
    return %arg0, %c0_i32 : i32, i32
  }
  func.func @transform_3(%arg0: i32) -> (i32, i32) {
    %c0_i32 = arith.constant 0 : i32
    %c0_i32_0 = arith.constant 0 : i32
    return %arg0, %c0_i32 : i32, i32
  }
  func.func @transform_4(%arg0: i32) -> (i32, i32) {
    %c0_i32 = arith.constant 0 : i32
    %c0_i32_0 = arith.constant 0 : i32
    %c0_i32_1 = arith.constant 0 : i32
    return %c0_i32, %c0_i32_0 : i32, i32
  }
  func.func @transform_5(%arg0: i32) -> (i32, i32) {
    %c0_i32 = arith.constant 0 : i32
    %c0_i32_0 = arith.constant 0 : i32
    %c0_i32_1 = arith.constant 0 : i32
    return %c0_i32, %c0_i32_0 : i32, i32
  }
  func.func @transform_6(%arg0: i32) -> (i32, i32) {
    %c0_i32 = arith.constant 0 : i32
    %c0_i32_0 = arith.constant 0 : i32
    return %arg0, %c0_i32 : i32, i32
  }
}

</mosaic_0001>

<sc_bundles>
// kernel: kernel.5.cloned.1.call-start
scs
__scs_entry_jumppad:
0x0: {  	(pc) =	sbr.rel $0x88, $3  }
0x1: {  	(tag) =	ssettag $0x0;
	lr =	simm.s32 $0x1  }
0x2: {  	[smem:$0x3F97] =	sst lr;
	_ =	strace $0xD0000000  }
0x3: {  	_ = 	snop  }
0x4: {  	_ = 	snop  }
0x5: {  	_ = 	snop  }
0x6: {  	_ = 	snop  }
0x7: {  	_ = 	snop  }
__scs_overlays_trampoline_lowered:
0x8: {  	[smem:$0x3FA6] =	sst s0  }
0x9: {  	[smem:$0x3FA7] =	sst s1  }
0xa: {  	[smem:$0x3FA8] =	sst s2  }
0xb: {  	[smem:$0x3FA9] =	sst s3  }
0xc: {  	[smem:$0x3FAA] =	sst s4  }
0xd: {  	[smem:$0x3FAB] =	sst s5  }
0xe: {  	[smem:$0x3FAC] =	sst s6  }
0xf: {  	[smem:$0x3FAD] =	sst s7  }
0x10: {  	[smem:$0x3FAE] =	sst s8  }
0x11: {  	[smem:$0x3FAF] =	sst s9;
	s0 =	simm.s32 @!p0 $0x0  }
0x12: {  	s1 =	sld [smem:$0x3F95];
	s0 =	simm.s32 @p0 $0x1  }
0x13: {  	[smem:$0x3FB0] =	sst s0;
	s0 =	simm.s32 @!p1 $0x0  }
0x14: {  	s2 =	sld [smem:$0x3F94];
	s0 =	simm.s32 @p1 $0x1  }
0x15: {  	[smem:$0x3FB1] =	sst s0;
	s0 =	simm.s32 @!p2 $0x0  }
0x16: {  	s3 =	sld [smem:$0x3FDB];
	s0 =	simm.s32 @p2 $0x1  }
0x17: {  	s4 =	simm.s32 $0x1BF5;
	[smem:$0x3FB3] =	sst s0  }
0x18: {  	s0 =	sld [smem:$0x3F96];
	_ =	swait.ge [sflag:s4], $0x0  }
0x19: {  	s7 =	sld [smem:$0x3F97]  }
0x1a: {  	s8 =	sadd.s32 $0xFFFFE003, lr  }
0x1b: {  	s9 =	sadd.s32 $0xFFFFFEF7, lr;
	s5 =	simm.s32 $0xFFFFFFFF;
	p2 =	slt.u32 s8, $0xFFFFF086  }
0x1c: {  	p1 =	slt.u32 s9, $0xF7A;
	s5 =	simm.s32 @!p2 $0x0  }
0x1d: {  	s5 =	simm.s32 @p1 $0x1;
	p0 =	seq.s32 s7, s2  }
0x1e: {  	s7 =	smul.u32 @!p0 $0xF7A, s2;
	p2 =	seq.s32 @!p0 s5, $0x0  }
0x1f: {  	s9 =	smul.u32 $0xF7A, s1;
	s8 =	simm.s32 @!p0 $0x1BF5;
	p2 =	por !p2, p0  }
0x20: {  	[sflag:s8] =	ssyncset.s32 @!p0 $0xFFFFF086;
	s6 =	sadd.s32 @!p0 s3, s7;
	s7 =	simm.s32 @!p0 $0x108  }
0x21: {  	s3 =	sadd.s32 s3, s9;
	s6 =	sadd.s32 @!p0 $0x88, s6;
	s7 =	simm.s32 @p2 $0x1082  }
0x22: {  	[simem:s7], [sflag:s8] =	dma.local @!p0 [hbm:s6], $0xF7A  }
0x23: {  	s9 =	sor.u32 $0xD0000000, s2;
	s6 =	simm.s32 $0x108;
	_ =	swait.ge @!p0 [sflag:s8], $0x0  }
0x24: {  	s3 =	sadd.s32 $0x88, s3;
	s6 =	simm.s32 @!p1 $0x1082;
	[sflag:s4] =	ssyncset.s32 $0xFFFFF086  }
0x25: {  	[simem:s6], [sflag:s4] =	dma.local [hbm:s3], $0xF7A  }
0x26: {  	[smem:$0x3F97] =	sst s1;
	(tag) =	ssettag s2;
	_ =	strace s9  }
0x27: {  	s1 =	sld [smem:$0x3FA7]  }
0x28: {  	s2 =	sld [smem:$0x3FA8]  }
0x29: {  	s4 =	sld [smem:$0x3FAA]  }
0x2a: {  	p0 =	seq.s32 s5, $0x0;
	s5 =	sld [smem:$0x3FAB]  }
0x2b: {  	s6 =	sld [smem:$0x3FAC]  }
0x2c: {  	s7 =	sld [smem:$0x3FAD]  }
0x2d: {  	s3 =	simm.s32 $0x108;
	s8 =	sld [smem:$0x3FAE]  }
0x2e: {  	s3 =	simm.s32 @!p0 $0x1082;
	s9 =	sld [smem:$0x3FAF]  }
0x2f: {  	lr =	sadd.s32 s0, s3;
	s0 =	sld [smem:$0x3FA6]  }
0x30: {  	s3 =	sld [smem:$0x3FA9]  }
0x31: {  	[smem:$0x3FB2] =	sst s10  }
0x32: {  	s10 =	sld [smem:$0x3FB0];
	_ =	sdelay $0x3  }
0x33: {  	p0 =	seq.s32 s10, $0x1;
	s10 =	sld [smem:$0x3FB2];
	_ =	sdelay $0x3  }
0x34: {  	[smem:$0x3FB2] =	sst s10  }
0x35: {  	s10 =	sld [smem:$0x3FB1];
	_ =	sdelay $0x3  }
0x36: {  	p1 =	seq.s32 s10, $0x1;
	s10 =	sld [smem:$0x3FB2];
	_ =	sdelay $0x3  }
0x37: {  	[smem:$0x3FB2] =	sst s10  }
0x38: {  	s10 =	sld [smem:$0x3FB3]  }
0x39: {  	_ = 	snop;
	(pc) =	sbr.ind lr, $3  }
0x3a: {  	_ = 	snop  }
0x3b: {  	_ = 	snop  }
0x3c: {  	p2 =	seq.s32 s10, $0x1;
	s10 =	sld [smem:$0x3FB2]  }
0x3d: {  	_ =	shalt  }
0x3e: {  	_ =	shalt  }
0x3f: {  	_ =	shalt  }
0x40: {  	_ =	shalt  }
0x41: {  	_ =	shalt  }
0x42: {  	_ =	shalt  }
0x43: {  	_ =	shalt  }
0x44: {  	_ =	shalt  }
0x45: {  	_ =	shalt  }
0x46: {  	_ =	shalt  }
0x47: {  	_ =	shalt  }
0x48: {  	_ =	shalt  }
0x49: {  	_ =	shalt  }
0x4a: {  	_ =	shalt  }
0x4b: {  	_ =	shalt  }
0x4c: {  	_ =	shalt  }
0x4d: {  	_ =	shalt  }
0x4e: {  	_ =	shalt  }
0x4f: {  	_ =	shalt  }
0x50: {  	_ =	shalt  }
0x51: {  	_ =	shalt  }
0x52: {  	_ =	shalt  }
0x53: {  	_ =	shalt  }
0x54: {  	_ =	shalt  }
0x55: {  	_ =	shalt  }
0x56: {  	_ =	shalt  }
0x57: {  	_ =	shalt  }
0x58: {  	_ =	shalt  }
0x59: {  	_ =	shalt  }
0x5a: {  	_ =	shalt  }
0x5b: {  	_ =	shalt  }
0x5c: {  	_ =	shalt  }
0x5d: {  	_ =	shalt  }
0x5e: {  	_ =	shalt  }
0x5f: {  	_ =	shalt  }
0x60: {  	_ =	shalt  }
0x61: {  	_ =	shalt  }
0x62: {  	_ =	shalt  }
0x63: {  	_ =	shalt  }
0x64: {  	_ =	shalt  }
0x65: {  	_ =	shalt  }
0x66: {  	_ =	shalt  }
0x67: {  	_ =	shalt  }
0x68: {  	_ =	shalt  }
0x69: {  	_ =	shalt  }
0x6a: {  	_ =	shalt  }
0x6b: {  	_ =	shalt  }
0x6c: {  	_ =	shalt  }
0x6d: {  	_ =	shalt  }
0x6e: {  	_ =	shalt  }
0x6f: {  	_ =	shalt  }
0x70: {  	_ =	shalt  }
0x71: {  	_ =	shalt  }
0x72: {  	_ =	shalt  }
0x73: {  	_ =	shalt  }
0x74: {  	_ =	shalt  }
0x75: {  	_ =	shalt  }
0x76: {  	_ =	shalt  }
0x77: {  	_ =	shalt  }
0x78: {  	_ =	shalt  }
0x79: {  	_ =	shalt  }
0x7a: {  	_ =	shalt  }
0x7b: {  	_ =	shalt  }
0x7c: {  	_ =	shalt  }
0x7d: {  	_ =	shalt  }
0x7e: {  	_ =	shalt  }
0x7f: {  	_ =	shalt  }
0x80: {  	_ =	shalt  }
0x81: {  	_ =	shalt  }
0x82: {  	_ =	shalt  }
0x83: {  	_ =	shalt  }
0x84: {  	_ =	shalt  }
0x85: {  	_ =	shalt  }
0x86: {  	_ =	shalt  }
0x87: {  	_ =	shalt  }
.Lfunc_end0:
.L_simem_size_0:
called_computation_lowered:
.L_overlay_start_0:
0x88: {  	s2 =	sld [smem:$0x3FD9]  }
0x89: {  	s3 =	sld [smem:$0x3FFE];
	_ =	sdelay $0x1  }
0x8a: {  	s1 =	srdreg.scid  }
0x8b: {  	s0 =	sand.u32 $0x1, s1  }
0x8c: {  	s17 =	sshll.u32 s0, $0xA;
	s2 =	sadd.s32 s3, s2  }
0x8d: {  	s2 =	sadd.s32 s2, s17  }
0x8e: {  	[smem:$0x3FBE] =	sst s2  }
0x8f: {  	_ = 	snop  }
0x90: {  	s2 =	sld [smem:$0x3FD0];
	(tm) =	ssettm $0x1  }
0x91: {  	s18 =	sld [smem:$0x3FFB];
	_ =	sdelay $0x3  }
0x92: {  	_ =	strace s18  }
0x93: {  	s3 =	sld [smem:$0x3FFC];
	_ =	sdelay $0x3  }
0x94: {  	_ =	strace s3  }
0x95: {  	s3 =	sld [smem:$0x3FFD];
	_ =	sdelay $0x3  }
0x96: {  	_ =	strace s3  }
0x97: {  	_ =	strace $0x8FFFFFFF  }
0x98: {  	s19 =	sld [smem:$0x3FDB];
	_ =	sdelay $0x1  }
0x99: {  	s4 =	simm.s32 $_scs_section_size  }
0x9a: {  	s5 =	simm.s32 $_size__tile_overlayer_lowered;
	s6 =	simm.s32 $_tile_overlayer_lowered  }
0x9b: {  	s22 =	simm.s32 $0x1BFF;
	s21 =	sshll.u32 s6, $0x1;
	s3 =	sadd.s32 s4, s19  }
0x9c: {  	s7 =	simm.s32 $0x0;
	s20 =	sshll.u32 s5, $0x1;
	s5 =	sadd.s32 s21, s3  }
0x9d: {  	[timem:s7], [sflag:s22] =	dma.local [hbm:s5], s20  }
0x9e: {  	_ =	swait.ge [sflag:s22], s20  }
0x9f: {  	s4 =	ssub.s32 $0x0, s20;
	[sflag:s22] =	ssyncset.done $0x0  }
0xa0: {  	[sflag:s22] =	ssyncadd.s32 s4;
	_ =	sdelay $0x1  }
0xa1: {  	s23 =	simm.s32 $0x1B8B  }
0xa2: {  	_ =	swait.ge [sflag:s23], $0x1  }
0xa3: {  	[sflag:s23] =	ssyncset.done $0x0  }
0xa4: {  	s25 =	simm.s32 $0x1B8E;
	s24 =	sld [smem:$0x3FFE];
	[sflag:s23] =	ssyncadd.s32 $0xFFFFFFFF  }
0xa5: {  	s26 =	simm.s32 $execute0_lowered;
	[smem:$0x3FD2] =	sst s25  }
0xa6: {  	s5 =	sshll.u32 s26, $0x1;
	_ =	strace $0x80000046;
	[dreg:$0x1] =	wrdreg $0xFFFFFFFF  }
0xa7: {  	s28 =	simm.s32 $_size_execute0_lowered;
	s3 =	sadd.s32 s3, s5;
	[dreg:$0x0] =	wrdreg $0x0  }
0xa8: {  	s5 =	sshll.u32 s28, $0x1;
	[dreg:$0x2] =	wrdreg s3  }
0xa9: {  	[dreg:$0x3] =	wrdreg s5  }
0xaa: {  	[dreg:$0x4] =	wrdreg $0xC0  }
0xab: {  	_ =	task [dreg:s7], $0x5FFFF  }
0xac: {  	[dreg:$0x1] =	wrdreg $0xFFFFFFFF  }
0xad: {  	[dreg:$0x0] =	wrdreg $0x60  }
0xae: {  	[dreg:$0x2] =	wrdreg s24  }
0xaf: {  	[dreg:$0x3] =	wrdreg s2  }
0xb0: {  	[dreg:$0x4] =	wrdreg $0x9  }
0xb1: {  	_ =	task.clear_ibuf [dreg:s7], $0x5FFFF;
	_ =	strace $0x90000046  }
0xb2: {  	s29 =	simm.s32 $0x9;
	_ =	strace $0x80000048  }
0xb3: {  	_ =	swait.ge [sflag:s29], $0x1  }
0xb4: {  	[sflag:s29] =	ssyncadd.s32 $0xFFFFFFFF  }
0xb5: {  	_ =	strace $0x90000048  }
0xb6: {  	_ =	sfence  }
0xb7: {  	s30 =	sld [smem:$0x0];
	_ =	sdelay $0x2  }
0xb8: {  	s31 =	sshll.u32 s1, $0xD;
	s1 =	sshrl.u32 s1, $0x2  }
0xb9: {  	s3 =	sand.u32 $0x4000, s31;
	s1 =	sadd.s32 s1, s30  }
0xba: {  	s0 =	sor.u32 s3, s0;
	s1 =	sshll.u32 s1, $0x11  }
0xbb: {  	s0 =	sor.u32 s1, s0  }
0xbc: {  	s0 =	sadd.s32 $0x8F2B, s0  }
0xbd: {  	[sflag:s0] =	ssyncadd.remote.s32 $0x1  }
0xbe: {  	_ =	sfence.sel $0xFFFF  }
0xbf: {  	[dreg:$0x0] =	wrdreg $0xFFFFFFFF;
	(pc) =	sbr.abs _section_cstart, $3  }
0xc0: {  	[dreg:$0x1] =	wrdreg $0xFFFFFFFF  }
0xc1: {  	_ =	task.clear_ibuf [dreg:s7], $0x2FFFF;
	_ =	strace $0x9FFFFFFF  }
0xc2: {  	(tm) =	ssettm $0x7FFFFFFF  }
0xc3: {  	_ =	shalt  }
tec
execute0_lowered:
.L_overlay_start_1:
0x0: {  	(tag) =	ssettag $0x1  }
0x1: {  	s1 =	srdreg.scid;
	s6 =	rddreg [dreg:$0x0]  }
0x2: {  	s0 =	stileid.u32;
	s12 =	rddreg [dreg:$0x1];
	s2 =	simm.s32 $0x0  }
0x3: {  	s14 =	simm.s32 $0xC80;
	s15 =	simm.s32 $0x1900;
	s16 =	simm.s32 $0x2580  }
0x4: {  	s17 =	simm.s32 $0x6580;
	s18 =	simm.s32 $0xA580;
	s19 =	simm.s32 $0x0  }
0x5: {  	s5 =	sand.u32 $0x1, s1;
	s29 =	sshll.u32 s0, $0x1;
	s4 =	smul.u32 $0xC8000, s0  }
0x6: {  	[smem:$0x7FF] =	sst s2;
	s1 =	sor.u32 s5, s29;
	s7 =	smul.u32 $0x64000, s5  }
0x7: {  	s30 =	ssub.s32 $0x2, s5;
	s5 =	sadd.s32 $0x12600, s6;
	s3 =	smul.u32 $0x190, s1  }
0x8: {  	s1 =	rddreg [dreg:$0x2];
	_ =	strace $0x80000047;
	s31 =	sshrl.u32 s30, $0x1  }
0x9: {  	s7 =	sadd.s32 s7, s4;
	s4 =	sadd.s32 $0x87A00, s6;
	s9 =	ssub.s32 s30, s31  }
0xa: {  	s8 =	sadd.s32 s3, s6;
	s3 =	sadd.s32 $0xA800, s6;
	s13 =	sshrl.u32 s7, $0x3  }
0xb: {  	s9 =	smax.u32 s9, $0x1;
	s11 =	sadd.s32 s13, s6;
	s6 =	sadd.s32 $0x1200, s8  }
0xc: {  	s7 =	sadd.s32 $0x4400, s8;
	s8 =	sadd.s32 $0x7600, s8;
	s12 =	sadd.s32 s13, s12  }
0xd: {  	s13 =	simm.s32 $0x3;
	s10 =	sadd.s32 $0x2DB000, s11;
	s11 =	sadd.s32 $0x14B000, s11  }
.LBB2_1:
0xe: {  	[tilespmem:s2], [sflag:$0x3] =	stream.linear.gather [hbm4b:s6+s2], $0xC80, $0x38;
	[tilespmem:$0x1A580] =	vst v63  }
0xf: {  	_ =	swait.ge [sflag:s13], $0xC80  }
0x10: {  	[sflag:s13] =	ssyncset.done $0x0  }
0x11: {  	[sflag:s13] =	ssyncadd.s32 $0xFFFFF380  }
0x12: {  	[tilespmem:s14], [sflag:$0x3] =	stream.linear.gather [hbm4b:s7+s2], $0xC80, $0x38;
	[tilespmem:$0x1A580] =	vst v63  }
0x13: {  	_ =	swait.ge [sflag:s13], $0xC80  }
0x14: {  	[sflag:s13] =	ssyncset.done $0x0  }
0x15: {  	[sflag:s13] =	ssyncadd.s32 $0xFFFFF380  }
0x16: {  	[tilespmem:s15], [sflag:$0x3] =	stream.linear.gather [hbm4b:s8+s2], $0xC80, $0x38;
	[tilespmem:$0x1A580] =	vst v63  }
0x17: {  	_ =	swait.ge [sflag:s13], $0xC80  }
0x18: {  	[sflag:s13] =	ssyncset.done $0x0  }
0x19: {  	s20 =	simm.s32 $0x80;
	s21 =	simm.s32 $0x1;
	[sflag:s13] =	ssyncadd.s32 $0xFFFFF380  }
0x1a: {  	[tilespmem:s16], [sflag:$0x1] =	stream.indirect.gather [hbm4b:s3+s20], $0x80, s2, s20, $0xb8;
	[tilespmem:$0x1A580] =	vst v63  }
0x1b: {  	s21 =	sand.u32 $0x1, s21  }
0x1c: {  	[tilespmem:s17], [sflag:$0x1] =	stream.indirect.gather [hbm4b:s4+s20], $0x80, s14, s20, $0xb8;
	[tilespmem:$0x1A580] =	vst v63  }
0x1d: {  	p0 =	seq.s32 s21, $0x0  }
0x1e: {  	[tilespmem:s18], [sflag:$0x1] =	stream.indirect.gather [hbm4b:s5+s20], $0x80, s15, s20, $0xb8;
	[tilespmem:$0x1A580] =	vst v63  }
0x1f: {  	s21 =	simm.s32 @p0 $0x80;
	s22 =	simm.s32 @p0 $0x2580  }
0x20: {  	[tilespmem:s22], [sflag:$0x1] =	stream.indirect.gather @p0 [hbm4b:s3+s21], $0x80, s20, s21, $0xb8;
	[tilespmem:$0x1A580] =	vst v63  }
0x21: {  	s23 =	simm.s32 @p0 $0x6580;
	s22 =	simm.s32 $0xD00  }
0x22: {  	[tilespmem:s23], [sflag:$0x1] =	stream.indirect.gather @p0 [hbm4b:s4+s21], $0x80, s22, s21, $0xb8;
	[tilespmem:$0x1A580] =	vst v63  }
0x23: {  	s24 =	simm.s32 @p0 $0xA580;
	s25 =	simm.s32 @p0 $0x2;
	s23 =	simm.s32 $0x1980  }
0x24: {  	[tilespmem:s24], [sflag:$0x1] =	stream.indirect.gather @p0 [hbm4b:s5+s21], $0x80, s23, s21, $0xb8;
	[tilespmem:$0x1A580] =	vst v63  }
0x25: {  	_ =	swait.ge @p0 [sflag:s25], $0x4000  }
0x26: {  	[sflag:s25] =	ssyncset.done @p0 $0x0  }
0x27: {  	[sflag:s25] =	ssyncadd.s32 @p0 $0xFFFFC000  }
0x28: {  	_ =	swait.ge @p0 [sflag:s25], $0x4000  }
0x29: {  	[sflag:s25] =	ssyncset.done @p0 $0x0  }
0x2a: {  	[sflag:s25] =	ssyncadd.s32 @p0 $0xFFFFC000  }
0x2b: {  	_ =	swait.ge @p0 [sflag:s25], $0x4000  }
0x2c: {  	s26 =	simm.s32 @p0 $0x0;
	s21 =	simm.s32 @p0 $0xE580;
	[sflag:s25] =	ssyncset.done @p0 $0x0  }
0x2d: {  	s24 =	simm.s32 @p0 $0x4;
	[sflag:s25] =	ssyncadd.s32 @p0 $0xFFFFC000;
	s25 =	sadd.s32 @p0 $0x0, s12  }
0x2e: {  	[hbm4b:s25+s26] =	stream.linear.scatter @p0 [tilespmem:s21], [sflag:$0x4], $0x4000, $0x38;
	[tilespmem:$0x1A580] =	vst v63  }
0x2f: {  	_ =	swait.ge @p0 [sflag:s24], $0x4000  }
0x30: {  	[sflag:s24] =	ssyncset.done @p0 $0x0  }
0x31: {  	s21 =	sadd.s32 @p0 $0x0, s11;
	s25 =	simm.s32 @p0 $0x12580;
	[sflag:s24] =	ssyncadd.s32 @p0 $0xFFFFC000  }
0x32: {  	[hbm4b:s21+s26] =	stream.linear.scatter @p0 [tilespmem:s25], [sflag:$0x4], $0x4000, $0x38;
	[tilespmem:$0x1A580] =	vst v63  }
0x33: {  	p1 =	por @!p0 $0x0, $0x0;
	_ =	swait.ge @p0 [sflag:s24], $0x4000  }
0x34: {  	p1 =	por p1, p0;
	[sflag:s24] =	ssyncset.done @p0 $0x0  }
0x35: {  	s21 =	simm.s32 @p0 $0x16580;
	[sflag:s24] =	ssyncadd.s32 @p0 $0xFFFFC000;
	s24 =	sadd.s32 @p0 $0x0, s10  }
0x36: {  	[hbm4b:s24+s26] =	stream.linear.scatter @p0 [tilespmem:s21], [sflag:$0x3], $0x4000, $0x38;
	[tilespmem:$0x1A580] =	vst v63  }
0x37: {  	s21 =	simm.s32 @!p1 $0x80;
	s24 =	simm.s32 @!p1 $0xE580  }
0x38: {  	[tilespmem:s24], [sflag:$0x2] =	stream.indirect.gather @!p1 [hbm4b:s3+s21], $0x80, s20, s21, $0xb8;
	[tilespmem:$0x1A580] =	vst v63  }
0x39: {  	s20 =	simm.s32 @!p1 $0x12580  }
0x3a: {  	[tilespmem:s20], [sflag:$0x2] =	stream.indirect.gather @!p1 [hbm4b:s4+s21], $0x80, s22, s21, $0xb8;
	[tilespmem:$0x1A580] =	vst v63  }
0x3b: {  	s20 =	simm.s32 @!p1 $0x16580;
	s22 =	simm.s32 @!p0 $0x1  }
0x3c: {  	[tilespmem:s20], [sflag:$0x2] =	stream.indirect.gather @!p1 [hbm4b:s5+s21], $0x80, s23, s21, $0xb8;
	[tilespmem:$0x1A580] =	vst v63  }
0x3d: {  	_ =	swait.ge @!p0 [sflag:s22], $0x4000  }
0x3e: {  	[sflag:s22] =	ssyncset.done @!p0 $0x0  }
0x3f: {  	[sflag:s22] =	ssyncadd.s32 @!p0 $0xFFFFC000  }
0x40: {  	_ =	swait.ge @!p0 [sflag:s22], $0x4000  }
0x41: {  	[sflag:s22] =	ssyncset.done @!p0 $0x0  }
0x42: {  	[sflag:s22] =	ssyncadd.s32 @!p0 $0xFFFFC000  }
0x43: {  	_ =	swait.ge @!p0 [sflag:s22], $0x4000  }
0x44: {  	s28 =	simm.s32 @!p0 $0x4;
	s20 =	simm.s32 @!p0 $0x2580;
	[sflag:s22] =	ssyncset.done @!p0 $0x0  }
0x45: {  	s21 =	sadd.s32 @!p0 $0x0, s12;
	[sflag:s22] =	ssyncadd.s32 @!p0 $0xFFFFC000;
	s22 =	simm.s32 @!p0 $0x0  }
0x46: {  	[hbm4b:s21+s22] =	stream.linear.scatter @!p0 [tilespmem:s20], [sflag:$0x4], $0x4000, $0x38;
	[tilespmem:$0x1A580] =	vst v63  }
0x47: {  	_ =	swait.ge @!p0 [sflag:s28], $0x4000  }
0x48: {  	s25 =	simm.s32 $0x1000;
	[sflag:s28] =	ssyncset.done @!p0 $0x0  }
0x49: {  	s20 =	sadd.s32 @!p0 $0x0, s11;
	s21 =	simm.s32 @!p0 $0x6580;
	[sflag:s28] =	ssyncadd.s32 @!p0 $0xFFFFC000  }
0x4a: {  	[hbm4b:s20+s22] =	stream.linear.scatter @!p0 [tilespmem:s21], [sflag:$0x4], $0x4000, $0x38;
	[tilespmem:$0x1A580] =	vst v63  }
0x4b: {  	s26 =	sadd.s32 @!p0 $0x0, s10;
	s23 =	simm.s32 $0x2;
	_ =	swait.ge @!p0 [sflag:s28], $0x4000  }
0x4c: {  	s24 =	simm.s32 @!p0 $0xA580;
	s31 =	sand.u32 $0x1, s23;
	[sflag:s28] =	ssyncset.done @!p0 $0x0  }
0x4d: {  	s20 =	simm.s32 $0x800;
	[sflag:s28] =	ssyncadd.s32 @!p0 $0xFFFFC000;
	s28 =	simm.s32 @p0 $0x3  }
0x4e: {  	[hbm4b:s26+s22] =	stream.linear.scatter @!p0 [tilespmem:s24], [sflag:$0x4], $0x4000, $0x38;
	[tilespmem:$0x1A580] =	vst v63  }
0x4f: {  	s21 =	simm.s32 $0x1A00;
	s22 =	simm.s32 $0xD80;
	_ =	swait.ge [sflag:s28], $0x4000  }
0x50: {  	p0 =	seq.s32 s31, $0x0;
	s24 =	simm.s32 $0x100;
	[sflag:s28] =	ssyncset.done $0x0  }
.LBB2_2:
0x51: {  	s29 =	simm.s32 @p0 $0x80;
	s30 =	simm.s32 @p0 $0x2580  }
0x52: {  	[sflag:s28] =	ssyncadd.s32 $0xFFFFC000;
	s26 =	smov.u32 s20;
	s20 =	smov.u32 s25  }
0x53: {  	[tilespmem:s30], [sflag:$0x1] =	stream.indirect.gather @p0 [hbm4b:s3+s29], $0x80, s24, s29, $0xb8;
	[tilespmem:$0x1A580] =	vst v63  }
0x54: {  	s25 =	sadd.s32 $0x800, s25;
	s28 =	simm.s32 @p0 $0x6580  }
0x55: {  	[tilespmem:s28], [sflag:$0x1] =	stream.indirect.gather @p0 [hbm4b:s4+s29], $0x80, s22, s29, $0xb8;
	[tilespmem:$0x1A580] =	vst v63  }
0x56: {  	p1 =	sne.s32 s25, $0xC800;
	s30 =	simm.s32 @p0 $0x2;
	s28 =	simm.s32 @p0 $0xA580  }
0x57: {  	[tilespmem:s28], [sflag:$0x1] =	stream.indirect.gather @p0 [hbm4b:s5+s29], $0x80, s21, s29, $0xb8;
	[tilespmem:$0x1A580] =	vst v63  }
0x58: {  	_ =	swait.ge @p0 [sflag:s30], $0x4000  }
0x59: {  	[sflag:s30] =	ssyncset.done @p0 $0x0  }
0x5a: {  	[sflag:s30] =	ssyncadd.s32 @p0 $0xFFFFC000  }
0x5b: {  	_ =	swait.ge @p0 [sflag:s30], $0x4000  }
0x5c: {  	[sflag:s30] =	ssyncset.done @p0 $0x0  }
0x5d: {  	[sflag:s30] =	ssyncadd.s32 @p0 $0xFFFFC000  }
0x5e: {  	_ =	swait.ge @p0 [sflag:s30], $0x4000  }
0x5f: {  	s28 =	simm.s32 @p0 $0xE580;
	s29 =	simm.s32 @p0 $0x4;
	[sflag:s30] =	ssyncset.done @p0 $0x0  }
0x60: {  	s31 =	simm.s32 @p0 $0x0;
	[sflag:s30] =	ssyncadd.s32 @p0 $0xFFFFC000;
	s30 =	sadd.s32 @p0 s26, s12  }
0x61: {  	[hbm4b:s30+s31] =	stream.linear.scatter @p0 [tilespmem:s28], [sflag:$0x4], $0x4000, $0x38;
	[tilespmem:$0x1A580] =	vst v63  }
0x62: {  	_ =	swait.ge @p0 [sflag:s29], $0x4000  }
0x63: {  	[sflag:s29] =	ssyncset.done @p0 $0x0  }
0x64: {  	s28 =	sadd.s32 @p0 s26, s11;
	s30 =	simm.s32 @p0 $0x12580;
	[sflag:s29] =	ssyncadd.s32 @p0 $0xFFFFC000  }
0x65: {  	[hbm4b:s28+s31] =	stream.linear.scatter @p0 [tilespmem:s30], [sflag:$0x4], $0x4000, $0x38;
	[tilespmem:$0x1A580] =	vst v63  }
0x66: {  	_ =	swait.ge @p0 [sflag:s29], $0x4000  }
0x67: {  	p2 =	sgt.u32 @!p0 s23, $0x18;
	s28 =	simm.s32 @p0 $0x16580;
	[sflag:s29] =	ssyncset.done @p0 $0x0  }
0x68: {  	p2 =	por p2, p0;
	[sflag:s29] =	ssyncadd.s32 @p0 $0xFFFFC000;
	s29 =	sadd.s32 @p0 s26, s10  }
0x69: {  	[hbm4b:s29+s31] =	stream.linear.scatter @p0 [tilespmem:s28], [sflag:$0x3], $0x4000, $0x38;
	[tilespmem:$0x1A580] =	vst v63  }
0x6a: {  	s28 =	simm.s32 @!p2 $0x80;
	s29 =	simm.s32 @!p2 $0xE580  }
0x6b: {  	[tilespmem:s29], [sflag:$0x2] =	stream.indirect.gather @!p2 [hbm4b:s3+s28], $0x80, s24, s28, $0xb8;
	[tilespmem:$0x1A580] =	vst v63  }
0x6c: {  	s29 =	simm.s32 @!p2 $0x12580  }
0x6d: {  	[tilespmem:s29], [sflag:$0x2] =	stream.indirect.gather @!p2 [hbm4b:s4+s28], $0x80, s22, s28, $0xb8;
	[tilespmem:$0x1A580] =	vst v63  }
0x6e: {  	s30 =	simm.s32 @!p0 $0x1;
	s29 =	simm.s32 @!p2 $0x16580  }
0x6f: {  	[tilespmem:s29], [sflag:$0x2] =	stream.indirect.gather @!p2 [hbm4b:s5+s28], $0x80, s21, s28, $0xb8;
	[tilespmem:$0x1A580] =	vst v63  }
0x70: {  	_ =	swait.ge @!p0 [sflag:s30], $0x4000  }
0x71: {  	[sflag:s30] =	ssyncset.done @!p0 $0x0  }
0x72: {  	[sflag:s30] =	ssyncadd.s32 @!p0 $0xFFFFC000  }
0x73: {  	_ =	swait.ge @!p0 [sflag:s30], $0x4000  }
0x74: {  	[sflag:s30] =	ssyncset.done @!p0 $0x0  }
0x75: {  	[sflag:s30] =	ssyncadd.s32 @!p0 $0xFFFFC000  }
0x76: {  	_ =	swait.ge @!p0 [sflag:s30], $0x4000  }
0x77: {  	s29 =	simm.s32 @!p0 $0x2580;
	s28 =	simm.s32 @!p0 $0x4;
	[sflag:s30] =	ssyncset.done @!p0 $0x0  }
0x78: {  	s31 =	simm.s32 @!p0 $0x0;
	[sflag:s30] =	ssyncadd.s32 @!p0 $0xFFFFC000;
	s30 =	sadd.s32 @!p0 s26, s12  }
0x79: {  	[hbm4b:s30+s31] =	stream.linear.scatter @!p0 [tilespmem:s29], [sflag:$0x4], $0x4000, $0x38;
	[tilespmem:$0x1A580] =	vst v63  }
0x7a: {  	_ =	swait.ge @!p0 [sflag:s28], $0x4000  }
0x7b: {  	[sflag:s28] =	ssyncset.done @!p0 $0x0  }
0x7c: {  	s29 =	sadd.s32 @!p0 s26, s11;
	s30 =	simm.s32 @!p0 $0x6580;
	[sflag:s28] =	ssyncadd.s32 @!p0 $0xFFFFC000  }
0x7d: {  	[hbm4b:s29+s31] =	stream.linear.scatter @!p0 [tilespmem:s30], [sflag:$0x4], $0x4000, $0x38;
	[tilespmem:$0x1A580] =	vst v63  }
0x7e: {  	s23 =	sadd.s32 $0x1, s23;
	s21 =	sadd.s32 $0x80, s21;
	_ =	swait.ge @!p0 [sflag:s28], $0x4000  }
.Ltmp0:
0x7f: {  	s29 =	simm.s32 @!p0 $0xA580;
	[sflag:s28] =	ssyncset.done @!p0 $0x0;
	(pc) =	sbr.rel @p1 .LBB2_2-.Ltmp0, $4  }
0x80: {  	s26 =	sadd.s32 @!p0 s26, s10;
	[sflag:s28] =	ssyncadd.s32 @!p0 $0xFFFFC000;
	s28 =	simm.s32 @p0 $0x3  }
0x81: {  	[hbm4b:s26+s31] =	stream.linear.scatter @!p0 [tilespmem:s29], [sflag:$0x4], $0x4000, $0x38;
	[tilespmem:$0x1A580] =	vst v63  }
0x82: {  	s22 =	sadd.s32 $0x80, s22;
	s26 =	sand.u32 $0x1, s23;
	_ =	swait.ge [sflag:s28], $0x4000  }
0x83: {  	s24 =	sadd.s32 $0x80, s24;
	p0 =	seq.s32 s26, $0x0;
	[sflag:s28] =	ssyncset.done $0x0  }
0x84: {  	s25 =	simm.s32 @p0 $0x80;
	s26 =	simm.s32 @p0 $0x2580;
	[sflag:s28] =	ssyncadd.s32 $0xFFFFC000  }
0x85: {  	[tilespmem:s26], [sflag:$0x1] =	stream.indirect.gather @p0 [hbm4b:s3+s25], $0x80, s24, s25, $0xb8;
	[tilespmem:$0x1A580] =	vst v63  }
0x86: {  	s26 =	simm.s32 @p0 $0x6580  }
0x87: {  	[tilespmem:s26], [sflag:$0x1] =	stream.indirect.gather @p0 [hbm4b:s4+s25], $0x80, s22, s25, $0xb8;
	[tilespmem:$0x1A580] =	vst v63  }
0x88: {  	s28 =	simm.s32 @p0 $0x2;
	s26 =	simm.s32 @p0 $0xA580  }
0x89: {  	[tilespmem:s26], [sflag:$0x1] =	stream.indirect.gather @p0 [hbm4b:s5+s25], $0x80, s21, s25, $0xb8;
	[tilespmem:$0x1A580] =	vst v63  }
0x8a: {  	_ =	swait.ge @p0 [sflag:s28], $0x4000  }
0x8b: {  	[sflag:s28] =	ssyncset.done @p0 $0x0  }
0x8c: {  	[sflag:s28] =	ssyncadd.s32 @p0 $0xFFFFC000  }
0x8d: {  	_ =	swait.ge @p0 [sflag:s28], $0x4000  }
0x8e: {  	[sflag:s28] =	ssyncset.done @p0 $0x0  }
0x8f: {  	[sflag:s28] =	ssyncadd.s32 @p0 $0xFFFFC000  }
0x90: {  	_ =	swait.ge @p0 [sflag:s28], $0x4000  }
0x91: {  	s29 =	simm.s32 @p0 $0x0;
	s25 =	simm.s32 @p0 $0xE580;
	[sflag:s28] =	ssyncset.done @p0 $0x0  }
0x92: {  	s26 =	simm.s32 @p0 $0x4;
	[sflag:s28] =	ssyncadd.s32 @p0 $0xFFFFC000;
	s28 =	sadd.s32 @p0 s20, s12  }
0x93: {  	[hbm4b:s28+s29] =	stream.linear.scatter @p0 [tilespmem:s25], [sflag:$0x4], $0x4000, $0x38;
	[tilespmem:$0x1A580] =	vst v63  }
0x94: {  	_ =	swait.ge @p0 [sflag:s26], $0x4000  }
0x95: {  	[sflag:s26] =	ssyncset.done @p0 $0x0  }
0x96: {  	s25 =	sadd.s32 @p0 s20, s11;
	s28 =	simm.s32 @p0 $0x12580;
	[sflag:s26] =	ssyncadd.s32 @p0 $0xFFFFC000  }
0x97: {  	[hbm4b:s25+s29] =	stream.linear.scatter @p0 [tilespmem:s28], [sflag:$0x4], $0x4000, $0x38;
	[tilespmem:$0x1A580] =	vst v63  }
0x98: {  	_ =	swait.ge @p0 [sflag:s26], $0x4000  }
0x99: {  	p1 =	sgt.u32 @!p0 s23, $0x18;
	s23 =	sadd.s32 @p0 s20, s10;
	[sflag:s26] =	ssyncset.done @p0 $0x0  }
0x9a: {  	p1 =	por p1, p0;
	s25 =	simm.s32 @p0 $0x16580;
	[sflag:s26] =	ssyncadd.s32 @p0 $0xFFFFC000  }
0x9b: {  	[hbm4b:s23+s29] =	stream.linear.scatter @p0 [tilespmem:s25], [sflag:$0x3], $0x4000, $0x38;
	[tilespmem:$0x1A580] =	vst v63  }
0x9c: {  	s23 =	simm.s32 @!p1 $0x80;
	s25 =	simm.s32 @!p1 $0xE580  }
0x9d: {  	[tilespmem:s25], [sflag:$0x2] =	stream.indirect.gather @!p1 [hbm4b:s3+s23], $0x80, s24, s23, $0xb8;
	[tilespmem:$0x1A580] =	vst v63  }
0x9e: {  	s24 =	simm.s32 @!p1 $0x12580  }
0x9f: {  	[tilespmem:s24], [sflag:$0x2] =	stream.indirect.gather @!p1 [hbm4b:s4+s23], $0x80, s22, s23, $0xb8;
	[tilespmem:$0x1A580] =	vst v63  }
0xa0: {  	s22 =	simm.s32 @!p1 $0x16580;
	s24 =	simm.s32 @!p0 $0x1  }
0xa1: {  	[tilespmem:s22], [sflag:$0x2] =	stream.indirect.gather @!p1 [hbm4b:s5+s23], $0x80, s21, s23, $0xb8;
	[tilespmem:$0x1A580] =	vst v63  }
0xa2: {  	_ =	swait.ge @!p0 [sflag:s24], $0x4000  }
0xa3: {  	[sflag:s24] =	ssyncset.done @!p0 $0x0  }
0xa4: {  	[sflag:s24] =	ssyncadd.s32 @!p0 $0xFFFFC000  }
0xa5: {  	_ =	swait.ge @!p0 [sflag:s24], $0x4000  }
0xa6: {  	[sflag:s24] =	ssyncset.done @!p0 $0x0  }
0xa7: {  	[sflag:s24] =	ssyncadd.s32 @!p0 $0xFFFFC000  }
0xa8: {  	_ =	swait.ge @!p0 [sflag:s24], $0x4000  }
0xa9: {  	s21 =	simm.s32 @!p0 $0x2580;
	s22 =	simm.s32 @!p0 $0x4;
	[sflag:s24] =	ssyncset.done @!p0 $0x0  }
0xaa: {  	s23 =	sadd.s32 @!p0 s20, s12;
	[sflag:s24] =	ssyncadd.s32 @!p0 $0xFFFFC000;
	s24 =	simm.s32 @!p0 $0x0  }
0xab: {  	[hbm4b:s23+s24] =	stream.linear.scatter @!p0 [tilespmem:s21], [sflag:$0x4], $0x4000, $0x38;
	[tilespmem:$0x1A580] =	vst v63  }
0xac: {  	_ =	swait.ge @!p0 [sflag:s22], $0x4000  }
0xad: {  	[sflag:s22] =	ssyncset.done @!p0 $0x0  }
0xae: {  	s21 =	sadd.s32 @!p0 s20, s11;
	s23 =	simm.s32 @!p0 $0x6580;
	[sflag:s22] =	ssyncadd.s32 @!p0 $0xFFFFC000  }
0xaf: {  	[hbm4b:s21+s24] =	stream.linear.scatter @!p0 [tilespmem:s23], [sflag:$0x4], $0x4000, $0x38;
	[tilespmem:$0x1A580] =	vst v63  }
0xb0: {  	_ =	swait.ge @!p0 [sflag:s22], $0x4000  }
0xb1: {  	s19 =	sadd.s32 $0x1, s19;
	[sflag:s22] =	ssyncset.done @!p0 $0x0  }
0xb2: {  	s20 =	sadd.s32 @!p0 s20, s10;
	s21 =	simm.s32 @!p0 $0xA580;
	[sflag:s22] =	ssyncadd.s32 @!p0 $0xFFFFC000  }
0xb3: {  	[hbm4b:s20+s24] =	stream.linear.scatter @!p0 [tilespmem:s21], [sflag:$0x4], $0x4000, $0x38;
	[tilespmem:$0x1A580] =	vst v63  }
0xb4: {  	s22 =	simm.s32 @p0 $0x3;
	p0 =	sne.s32 s19, s9  }
.Ltmp1:
0xb5: {  	_ = 	snop;
	(pc) =	sbr.rel @p0 .LBB2_1-.Ltmp1, $4  }
0xb6: {  	_ = 	snop  }
0xb7: {  	_ =	swait.ge [sflag:s22], $0x4000  }
0xb8: {  	[sflag:s22] =	ssyncset.done $0x0  }
0xb9: {  	[sflag:s22] =	ssyncadd.s32 $0xFFFFC000  }
0xba: {  	_ =	sfence.sel $0x180000  }
0xbb: {  	[bflag:$0x0] =	sbarrier.arrive $0xFFFF  }
0xbc: {  	p0 =	sne.s32 s0, $0x0;
	_ =	strace $0x90000047  }
0xbd: {  	s0 =	sadd.s32 @!p0 $0x100000, s1;
	[bflag:$0x2] =	sbarrier.arrive $0xFFFF  }
0xbe: {  	[sflag:s0] =	ssyncadd.tile.s32 @!p0 $0x1;
	_ =	shalt  }
.Lfunc_end2:
_tile_overlayer_lowered:
.L_overlay_start_2:
0xbf: {  	(tag) =	ssettag $0x2  }
0xc0: {  	s0 =	rddreg [dreg:$0x0];
	s2 =	stileid.u32  }
0xc1: {  	s1 =	rddreg [dreg:$0x1];
	p0 =	sne.s32 s2, $0x0  }
0xc2: {  	s3 =	rddreg [dreg:$0x2];
	[bflag:$0x3] =	sbarrier.arrive $0xFFFF;
	s2 =	simm.s32 @!p0 $0x1C03  }
0xc3: {  	[timem:s3], [sflag:s2] =	dma.local @!p0 [hbm:s0], s1  }
0xc4: {  	s0 =	simm.s32 @!p0 $0x3  }
0xc5: {  	_ =	swait.ge @!p0 [sflag:s0], s1  }
0xc6: {  	s1 =	ssub.s32 @!p0 $0x0, s1;
	[sflag:s0] =	ssyncset.done @!p0 $0x0  }
0xc7: {  	[sflag:s0] =	ssyncadd.s32 @!p0 s1  }
0xc8: {  	[bflag:$0x3] =	sbarrier.arrive $0xFFFF  }
0xc9: {  	_ =	shalt  }

// kernel: kernel.8.cloned.1.call-start
scs
__scs_entry_jumppad:
0x0: {  	(pc) =	sbr.rel $0x88, $3  }
0x1: {  	(tag) =	ssettag $0x0;
	lr =	simm.s32 $0x1  }
0x2: {  	[smem:$0x3F97] =	sst lr;
	_ =	strace $0xD0000000  }
0x3: {  	_ = 	snop  }
0x4: {  	_ = 	snop  }
0x5: {  	_ = 	snop  }
0x6: {  	_ = 	snop  }
0x7: {  	_ = 	snop  }
__scs_overlays_trampoline_lowered:
0x8: {  	[smem:$0x3FA6] =	sst s0  }
0x9: {  	[smem:$0x3FA7] =	sst s1  }
0xa: {  	[smem:$0x3FA8] =	sst s2  }
0xb: {  	[smem:$0x3FA9] =	sst s3  }
0xc: {  	[smem:$0x3FAA] =	sst s4  }
0xd: {  	[smem:$0x3FAB] =	sst s5  }
0xe: {  	[smem:$0x3FAC] =	sst s6  }
0xf: {  	[smem:$0x3FAD] =	sst s7  }
0x10: {  	[smem:$0x3FAE] =	sst s8  }
0x11: {  	[smem:$0x3FAF] =	sst s9;
	s0 =	simm.s32 @!p0 $0x0  }
0x12: {  	s1 =	sld [smem:$0x3F95];
	s0 =	simm.s32 @p0 $0x1  }
0x13: {  	[smem:$0x3FB0] =	sst s0;
	s0 =	simm.s32 @!p1 $0x0  }
0x14: {  	s2 =	sld [smem:$0x3F94];
	s0 =	simm.s32 @p1 $0x1  }
0x15: {  	[smem:$0x3FB1] =	sst s0;
	s0 =	simm.s32 @!p2 $0x0  }
0x16: {  	s3 =	sld [smem:$0x3FDB];
	s0 =	simm.s32 @p2 $0x1  }
0x17: {  	s4 =	simm.s32 $0x1BF5;
	[smem:$0x3FB3] =	sst s0  }
0x18: {  	s0 =	sld [smem:$0x3F96];
	_ =	swait.ge [sflag:s4], $0x0  }
0x19: {  	s7 =	sld [smem:$0x3F97]  }
0x1a: {  	s8 =	sadd.s32 $0xFFFFE003, lr  }
0x1b: {  	s9 =	sadd.s32 $0xFFFFFEF7, lr;
	s5 =	simm.s32 $0xFFFFFFFF;
	p2 =	slt.u32 s8, $0xFFFFF086  }
0x1c: {  	p1 =	slt.u32 s9, $0xF7A;
	s5 =	simm.s32 @!p2 $0x0  }
0x1d: {  	s5 =	simm.s32 @p1 $0x1;
	p0 =	seq.s32 s7, s2  }
0x1e: {  	s7 =	smul.u32 @!p0 $0xF7A, s2;
	p2 =	seq.s32 @!p0 s5, $0x0  }
0x1f: {  	s9 =	smul.u32 $0xF7A, s1;
	s8 =	simm.s32 @!p0 $0x1BF5;
	p2 =	por !p2, p0  }
0x20: {  	[sflag:s8] =	ssyncset.s32 @!p0 $0xFFFFF086;
	s6 =	sadd.s32 @!p0 s3, s7;
	s7 =	simm.s32 @!p0 $0x108  }
0x21: {  	s3 =	sadd.s32 s3, s9;
	s6 =	sadd.s32 @!p0 $0x88, s6;
	s7 =	simm.s32 @p2 $0x1082  }
0x22: {  	[simem:s7], [sflag:s8] =	dma.local @!p0 [hbm:s6], $0xF7A  }
0x23: {  	s9 =	sor.u32 $0xD0000000, s2;
	s6 =	simm.s32 $0x108;
	_ =	swait.ge @!p0 [sflag:s8], $0x0  }
0x24: {  	s3 =	sadd.s32 $0x88, s3;
	s6 =	simm.s32 @!p1 $0x1082;
	[sflag:s4] =	ssyncset.s32 $0xFFFFF086  }
0x25: {  	[simem:s6], [sflag:s4] =	dma.local [hbm:s3], $0xF7A  }
0x26: {  	[smem:$0x3F97] =	sst s1;
	(tag) =	ssettag s2;
	_ =	strace s9  }
0x27: {  	s1 =	sld [smem:$0x3FA7]  }
0x28: {  	s2 =	sld [smem:$0x3FA8]  }
0x29: {  	s4 =	sld [smem:$0x3FAA]  }
0x2a: {  	p0 =	seq.s32 s5, $0x0;
	s5 =	sld [smem:$0x3FAB]  }
0x2b: {  	s6 =	sld [smem:$0x3FAC]  }
0x2c: {  	s7 =	sld [smem:$0x3FAD]  }
0x2d: {  	s3 =	simm.s32 $0x108;
	s8 =	sld [smem:$0x3FAE]  }
0x2e: {  	s3 =	simm.s32 @!p0 $0x1082;
	s9 =	sld [smem:$0x3FAF]  }
0x2f: {  	lr =	sadd.s32 s0, s3;
	s0 =	sld [smem:$0x3FA6]  }
0x30: {  	s3 =	sld [smem:$0x3FA9]  }
0x31: {  	[smem:$0x3FB2] =	sst s10  }
0x32: {  	s10 =	sld [smem:$0x3FB0];
	_ =	sdelay $0x3  }
0x33: {  	p0 =	seq.s32 s10, $0x1;
	s10 =	sld [smem:$0x3FB2];
	_ =	sdelay $0x3  }
0x34: {  	[smem:$0x3FB2] =	sst s10  }
0x35: {  	s10 =	sld [smem:$0x3FB1];
	_ =	sdelay $0x3  }
0x36: {  	p1 =	seq.s32 s10, $0x1;
	s10 =	sld [smem:$0x3FB2];
	_ =	sdelay $0x3  }
0x37: {  	[smem:$0x3FB2] =	sst s10  }
0x38: {  	s10 =	sld [smem:$0x3FB3]  }
0x39: {  	_ = 	snop;
	(pc) =	sbr.ind lr, $3  }
0x3a: {  	_ = 	snop  }
0x3b: {  	_ = 	snop  }
0x3c: {  	p2 =	seq.s32 s10, $0x1;
	s10 =	sld [smem:$0x3FB2]  }
0x3d: {  	_ =	shalt  }
0x3e: {  	_ =	shalt  }
0x3f: {  	_ =	shalt  }
0x40: {  	_ =	shalt  }
0x41: {  	_ =	shalt  }
0x42: {  	_ =	shalt  }
0x43: {  	_ =	shalt  }
0x44: {  	_ =	shalt  }
0x45: {  	_ =	shalt  }
0x46: {  	_ =	shalt  }
0x47: {  	_ =	shalt  }
0x48: {  	_ =	shalt  }
0x49: {  	_ =	shalt  }
0x4a: {  	_ =	shalt  }
0x4b: {  	_ =	shalt  }
0x4c: {  	_ =	shalt  }
0x4d: {  	_ =	shalt  }
0x4e: {  	_ =	shalt  }
0x4f: {  	_ =	shalt  }
0x50: {  	_ =	shalt  }
0x51: {  	_ =	shalt  }
0x52: {  	_ =	shalt  }
0x53: {  	_ =	shalt  }
0x54: {  	_ =	shalt  }
0x55: {  	_ =	shalt  }
0x56: {  	_ =	shalt  }
0x57: {  	_ =	shalt  }
0x58: {  	_ =	shalt  }
0x59: {  	_ =	shalt  }
0x5a: {  	_ =	shalt  }
0x5b: {  	_ =	shalt  }
0x5c: {  	_ =	shalt  }
0x5d: {  	_ =	shalt  }
0x5e: {  	_ =	shalt  }
0x5f: {  	_ =	shalt  }
0x60: {  	_ =	shalt  }
0x61: {  	_ =	shalt  }
0x62: {  	_ =	shalt  }
0x63: {  	_ =	shalt  }
0x64: {  	_ =	shalt  }
0x65: {  	_ =	shalt  }
0x66: {  	_ =	shalt  }
0x67: {  	_ =	shalt  }
0x68: {  	_ =	shalt  }
0x69: {  	_ =	shalt  }
0x6a: {  	_ =	shalt  }
0x6b: {  	_ =	shalt  }
0x6c: {  	_ =	shalt  }
0x6d: {  	_ =	shalt  }
0x6e: {  	_ =	shalt  }
0x6f: {  	_ =	shalt  }
0x70: {  	_ =	shalt  }
0x71: {  	_ =	shalt  }
0x72: {  	_ =	shalt  }
0x73: {  	_ =	shalt  }
0x74: {  	_ =	shalt  }
0x75: {  	_ =	shalt  }
0x76: {  	_ =	shalt  }
0x77: {  	_ =	shalt  }
0x78: {  	_ =	shalt  }
0x79: {  	_ =	shalt  }
0x7a: {  	_ =	shalt  }
0x7b: {  	_ =	shalt  }
0x7c: {  	_ =	shalt  }
0x7d: {  	_ =	shalt  }
0x7e: {  	_ =	shalt  }
0x7f: {  	_ =	shalt  }
0x80: {  	_ =	shalt  }
0x81: {  	_ =	shalt  }
0x82: {  	_ =	shalt  }
0x83: {  	_ =	shalt  }
0x84: {  	_ =	shalt  }
0x85: {  	_ =	shalt  }
0x86: {  	_ =	shalt  }
0x87: {  	_ =	shalt  }
.Lfunc_end0:
.L_simem_size_0:
called_computation.1_lowered:
.L_overlay_start_0:
0x88: {  	s2 =	sld [smem:$0x3FD9]  }
0x89: {  	s3 =	sld [smem:$0x3FFE];
	_ =	sdelay $0x1  }
0x8a: {  	s1 =	srdreg.scid  }
0x8b: {  	s0 =	sand.u32 $0x1, s1  }
0x8c: {  	s17 =	sshll.u32 s0, $0xA;
	s2 =	sadd.s32 s3, s2  }
0x8d: {  	s2 =	sadd.s32 s2, s17  }
0x8e: {  	[smem:$0x3FBE] =	sst s2  }
0x8f: {  	_ = 	snop  }
0x90: {  	s2 =	sld [smem:$0x3FD0];
	(tm) =	ssettm $0x1  }
0x91: {  	s18 =	sld [smem:$0x3FFB];
	_ =	sdelay $0x3  }
0x92: {  	_ =	strace s18  }
0x93: {  	s3 =	sld [smem:$0x3FFC];
	_ =	sdelay $0x3  }
0x94: {  	_ =	strace s3  }
0x95: {  	s3 =	sld [smem:$0x3FFD];
	_ =	sdelay $0x3  }
0x96: {  	_ =	strace s3  }
0x97: {  	_ =	strace $0x8FFFFFFF  }
0x98: {  	s19 =	sld [smem:$0x3FDB];
	_ =	sdelay $0x1  }
0x99: {  	s4 =	simm.s32 $_scs_section_size  }
0x9a: {  	s5 =	simm.s32 $_size__tile_overlayer_lowered;
	s6 =	simm.s32 $_tile_overlayer_lowered  }
0x9b: {  	s22 =	simm.s32 $0x1BFF;
	s21 =	sshll.u32 s6, $0x1;
	s3 =	sadd.s32 s4, s19  }
0x9c: {  	s7 =	simm.s32 $0x0;
	s20 =	sshll.u32 s5, $0x1;
	s5 =	sadd.s32 s21, s3  }
0x9d: {  	[timem:s7], [sflag:s22] =	dma.local [hbm:s5], s20  }
0x9e: {  	_ =	swait.ge [sflag:s22], s20  }
0x9f: {  	s4 =	ssub.s32 $0x0, s20;
	[sflag:s22] =	ssyncset.done $0x0  }
0xa0: {  	[sflag:s22] =	ssyncadd.s32 s4;
	_ =	sdelay $0x1  }
0xa1: {  	s23 =	simm.s32 $0x1B8B  }
0xa2: {  	_ =	swait.ge [sflag:s23], $0x1  }
0xa3: {  	[sflag:s23] =	ssyncset.done $0x0  }
0xa4: {  	s25 =	simm.s32 $0x1B8E;
	s24 =	sld [smem:$0x3FFE];
	[sflag:s23] =	ssyncadd.s32 $0xFFFFFFFF  }
0xa5: {  	s26 =	simm.s32 $execute0_lowered;
	[smem:$0x3FD2] =	sst s25  }
0xa6: {  	s5 =	sshll.u32 s26, $0x1;
	_ =	strace $0x80000049;
	[dreg:$0x1] =	wrdreg $0xFFFFFFFF  }
0xa7: {  	s28 =	simm.s32 $_size_execute0_lowered;
	s3 =	sadd.s32 s3, s5;
	[dreg:$0x0] =	wrdreg $0x0  }
0xa8: {  	s5 =	sshll.u32 s28, $0x1;
	[dreg:$0x2] =	wrdreg s3  }
0xa9: {  	[dreg:$0x3] =	wrdreg s5  }
0xaa: {  	[dreg:$0x4] =	wrdreg $0xC0  }
0xab: {  	_ =	task [dreg:s7], $0x5FFFF  }
0xac: {  	[dreg:$0x1] =	wrdreg $0xFFFFFFFF  }
0xad: {  	[dreg:$0x0] =	wrdreg $0x60  }
0xae: {  	[dreg:$0x2] =	wrdreg s24  }
0xaf: {  	[dreg:$0x3] =	wrdreg s2  }
0xb0: {  	[dreg:$0x4] =	wrdreg $0x9  }
0xb1: {  	_ =	task.clear_ibuf [dreg:s7], $0x5FFFF;
	_ =	strace $0x90000049  }
0xb2: {  	s29 =	simm.s32 $0x9;
	_ =	strace $0x8000004B  }
0xb3: {  	_ =	swait.ge [sflag:s29], $0x1  }
0xb4: {  	[sflag:s29] =	ssyncadd.s32 $0xFFFFFFFF  }
0xb5: {  	_ =	strace $0x9000004B  }
0xb6: {  	_ =	sfence  }
0xb7: {  	s30 =	sld [smem:$0x0];
	_ =	sdelay $0x2  }
0xb8: {  	s31 =	sshll.u32 s1, $0xD;
	s1 =	sshrl.u32 s1, $0x2  }
0xb9: {  	s3 =	sand.u32 $0x4000, s31;
	s1 =	sadd.s32 s1, s30  }
0xba: {  	s0 =	sor.u32 s3, s0;
	s1 =	sshll.u32 s1, $0x11  }
0xbb: {  	s0 =	sor.u32 s1, s0  }
0xbc: {  	s0 =	sadd.s32 $0x8F2B, s0  }
0xbd: {  	[sflag:s0] =	ssyncadd.remote.s32 $0x1  }
0xbe: {  	_ =	sfence.sel $0xFFFF  }
0xbf: {  	[dreg:$0x0] =	wrdreg $0xFFFFFFFF;
	(pc) =	sbr.abs _section_cstart, $3  }
0xc0: {  	[dreg:$0x1] =	wrdreg $0xFFFFFFFF  }
0xc1: {  	_ =	task.clear_ibuf [dreg:s7], $0x2FFFF;
	_ =	strace $0x9FFFFFFF  }
0xc2: {  	(tm) =	ssettm $0x7FFFFFFF  }
0xc3: {  	_ =	shalt  }
tec
execute0_lowered:
.L_overlay_start_1:
0x0: {  	(tag) =	ssettag $0x1  }
0x1: {  	s0 =	rddreg [dreg:$0x0]  }
0x2: {  	s1 =	rddreg [dreg:$0x1];
	s2 =	simm.s32 $0x0;
	s3 =	srdreg.scid  }
0x3: {  	s5 =	stileid.u32;
	s19 =	simm.s32 $0x7100;
	s20 =	simm.s32 $0x7900  }
0x4: {  	s21 =	simm.s32 $0x8100;
	s22 =	simm.s32 $0x8900;
	s23 =	simm.s32 $0x9100  }
0x5: {  	s28 =	simm.s32 $0xB100;
	s29 =	simm.s32 $0xB900;
	s30 =	simm.s32 $0xC100  }
0x6: {  	s31 =	simm.s32 $0xC900;
	s9 =	simm.s32 $0x10100;
	s10 =	simm.s32 $0x10900  }
0x7: {  	s11 =	simm.s32 $0x11100;
	s12 =	simm.s32 $0x1;
	s13 =	simm.s32 $0x2  }
0x8: {  	s14 =	simm.s32 $0x0;
	s3 =	sand.u32 $0x1, s3;
	s4 =	sshll.u32 s5, $0x1  }
0x9: {  	s5 =	smul.u32 $0x320000, s5;
	[smem:$0x7FF] =	sst s2;
	s4 =	sor.u32 s3, s4  }
0xa: {  	s6 =	smul.u32 $0x190000, s3;
	_ =	strace $0x8000004A;
	s7 =	ssub.s32 $0x2, s3  }
0xb: {  	s3 =	sadd.s32 $0x471400, s0;
	s4 =	smul.u32 $0x320, s4;
	s8 =	sshrl.u32 s7, $0x1  }
0xc: {  	s5 =	sadd.s32 s6, s5;
	s24 =	ssub.s32 s7, s8;
	s8 =	simm.s32 $0x1900  }
0xd: {  	s6 =	simm.s32 $0xF100;
	s7 =	simm.s32 $0xF900;
	s0 =	sadd.s32 s4, s0  }
.Ltmp0:
0xe: {  	s5 =	sshrl.u32 s5, $0x3;
	s25 =	smax.u32 s24, $0x1;
	(pc) =	sbr.rel .LBB2_1-.Ltmp0, $4  }
0xf: {  	s24 =	simm.s32 $0x9900;
	s4 =	simm.s32 $0xE100;
	s0 =	sadd.s32 $0x46B000, s0  }
0x10: {  	v2 =	vlaneseq.u32;
	[dreg:$0x4] =	wrdreg s25;
	s26 =	sadd.s32 s5, s1;
	s25 =	simm.s32 $0xA100  }
0x11: {  	vm0 =	vmmov $0xffff;
	v1 =	vshrl.u32 v2, $0x3;
	s1 =	simm.s32 $0xD900;
	s5 =	simm.s32 $0xE900;
	[dreg:$0x3] =	wrdreg s0  }
0x12: {  	v0 =	vand.u32 $0x7, v2;
	v2 =	vor.u32 $0x8, v2;
	v1 =	vmul.u32 $0x8, v1;
	[dreg:$0x5] =	wrdreg s26;
	s26 =	simm.s32 $0xA900;
	s0 =	simm.s32 $0xD100  }
.LBB2_8:
0x13: {  	s14 =	sadd.s32 $0x1, s14;
	s15 =	rddreg [dreg:$0x4]  }
0x14: {  	p0 =	sne.s32 s14, s15  }
.Ltmp1:
0x15: {  	_ = 	snop;
	(pc) =	sbr.rel @!p0 .LBB2_9-.Ltmp1, $1  }
0x16: {  	_ =	sdelay $0x3  }
.LBB2_1:
0x17: {  	s15 =	rddreg [dreg:$0x3];
	s17 =	simm.s32 $0x3  }
0x18: {  	[tilespmem:s2], [sflag:$0x3] =	stream.linear.gather [hbm4b:s15+s2], $0x1900, $0x38;
	[tilespmem:$0x11900] =	vst v63  }
0x19: {  	_ =	swait.ge [sflag:s17], $0x1900  }
0x1a: {  	[sflag:s17] =	ssyncset.done $0x0  }
0x1b: {  	[sflag:s17] =	ssyncadd.s32 $0xFFFFE700  }
0x1c: {  	v3 =	vld [tilespmem:$0x0];
	_ =	sdelay $0x4  }
0x1d: {  	v4 =	vshll.u32 v3, $0x1  }
0x1e: {  	v3 =	vand.u32 $0x7, v3;
	v4 =	vand.u32 $0xFFFFFFF0, v4  }
0x1f: {  	v3 =	vor.u32 v3, v4  }
0x20: {  	v4 =	vperm.xlane v3, v0;
	_ =	sdelay $0x1  }
0x21: {  	v3 =	vperm.xlane v3, v2;
	v4 =	vadd.s32 v1, v4;
	_ =	sdelay $0x1  }
0x22: {  	v3 =	vadd.s32 v1, v3;
	_ =	sdelay $0x2  }
0x23: {  	[tilespmem:s8], [sflag:$0x1] =	stream.indirect_vreg.gather [hbm4b:s3+s2], $0x80, v4, vm0, $0xb8;
	[tilespmem:$0x11900] =	vst v63  }
0x24: {  	s18 =	simm.s32 $0x2100  }
0x25: {  	[tilespmem:s18], [sflag:$0x1] =	stream.indirect_vreg.gather [hbm4b:s3+s2], $0x80, v3, vm0, $0xb8;
	[tilespmem:$0x11900] =	vst v63  }
0x26: {  	v3 =	vld [tilespmem:$0x10];
	_ =	sdelay $0x4  }
0x27: {  	v57 =	vshll.u32 v3, $0x1  }
0x28: {  	v3 =	vand.u32 $0x7, v3;
	v4 =	vand.u32 $0xFFFFFFF0, v57  }
0x29: {  	v3 =	vor.u32 v3, v4  }
0x2a: {  	v4 =	vperm.xlane v3, v0;
	_ =	sdelay $0x1  }
0x2b: {  	v3 =	vperm.xlane v3, v2;
	v4 =	vadd.s32 v1, v4;
	_ =	sdelay $0x1  }
0x2c: {  	v3 =	vadd.s32 v1, v3;
	_ =	sdelay $0x1  }
0x2d: {  	s16 =	simm.s32 $0x2900  }
0x2e: {  	[tilespmem:s16], [sflag:$0x1] =	stream.indirect_vreg.gather [hbm4b:s3+s2], $0x80, v4, vm0, $0xb8;
	[tilespmem:$0x11900] =	vst v63  }
0x2f: {  	s17 =	simm.s32 $0x3100  }
0x30: {  	[tilespmem:s17], [sflag:$0x1] =	stream.indirect_vreg.gather [hbm4b:s3+s2], $0x80, v3, vm0, $0xb8;
	[tilespmem:$0x11900] =	vst v63  }
0x31: {  	v3 =	vld [tilespmem:$0x20];
	_ =	sdelay $0x4  }
0x32: {  	v58 =	vshll.u32 v3, $0x1  }
0x33: {  	v3 =	vand.u32 $0x7, v3;
	v4 =	vand.u32 $0xFFFFFFF0, v58  }
0x34: {  	v3 =	vor.u32 v3, v4  }
0x35: {  	v4 =	vperm.xlane v3, v0;
	_ =	sdelay $0x1  }
0x36: {  	v3 =	vperm.xlane v3, v2;
	v4 =	vadd.s32 v1, v4;
	_ =	sdelay $0x1  }
0x37: {  	v3 =	vadd.s32 v1, v3;
	_ =	sdelay $0x1  }
0x38: {  	s18 =	simm.s32 $0x3900  }
0x39: {  	[tilespmem:s18], [sflag:$0x1] =	stream.indirect_vreg.gather [hbm4b:s3+s2], $0x80, v4, vm0, $0xb8;
	[tilespmem:$0x11900] =	vst v63  }
0x3a: {  	s16 =	simm.s32 $0x4100  }
0x3b: {  	[tilespmem:s16], [sflag:$0x1] =	stream.indirect_vreg.gather [hbm4b:s3+s2], $0x80, v3, vm0, $0xb8;
	[tilespmem:$0x11900] =	vst v63  }
0x3c: {  	v3 =	vld [tilespmem:$0x30];
	_ =	sdelay $0x4  }
0x3d: {  	v59 =	vshll.u32 v3, $0x1  }
0x3e: {  	v3 =	vand.u32 $0x7, v3;
	v4 =	vand.u32 $0xFFFFFFF0, v59  }
0x3f: {  	v3 =	vor.u32 v3, v4  }
0x40: {  	v4 =	vperm.xlane v3, v0;
	_ =	sdelay $0x1  }
0x41: {  	v3 =	vperm.xlane v3, v2;
	v4 =	vadd.s32 v1, v4;
	_ =	sdelay $0x1  }
0x42: {  	v3 =	vadd.s32 v1, v3;
	_ =	sdelay $0x1  }
0x43: {  	s17 =	simm.s32 $0x4900  }
0x44: {  	[tilespmem:s17], [sflag:$0x1] =	stream.indirect_vreg.gather [hbm4b:s3+s2], $0x80, v4, vm0, $0xb8;
	[tilespmem:$0x11900] =	vst v63  }
0x45: {  	s18 =	simm.s32 $0x5100  }
0x46: {  	[tilespmem:s18], [sflag:$0x1] =	stream.indirect_vreg.gather [hbm4b:s3+s2], $0x80, v3, vm0, $0xb8;
	[tilespmem:$0x11900] =	vst v63  }
0x47: {  	v3 =	vld [tilespmem:$0x40];
	_ =	sdelay $0x4  }
0x48: {  	v60 =	vshll.u32 v3, $0x1  }
0x49: {  	v3 =	vand.u32 $0x7, v3;
	v4 =	vand.u32 $0xFFFFFFF0, v60  }
0x4a: {  	v3 =	vor.u32 v3, v4  }
0x4b: {  	v4 =	vperm.xlane v3, v0;
	_ =	sdelay $0x1  }
0x4c: {  	v3 =	vperm.xlane v3, v2;
	v4 =	vadd.s32 v1, v4;
	_ =	sdelay $0x1  }
0x4d: {  	v3 =	vadd.s32 v1, v3;
	_ =	sdelay $0x1  }
0x4e: {  	s16 =	simm.s32 $0x5900  }
0x4f: {  	[tilespmem:s16], [sflag:$0x1] =	stream.indirect_vreg.gather [hbm4b:s3+s2], $0x80, v4, vm0, $0xb8;
	[tilespmem:$0x11900] =	vst v63  }
0x50: {  	s17 =	simm.s32 $0x6100  }
0x51: {  	[tilespmem:s17], [sflag:$0x1] =	stream.indirect_vreg.gather [hbm4b:s3+s2], $0x80, v3, vm0, $0xb8;
	[tilespmem:$0x11900] =	vst v63  }
0x52: {  	v3 =	vld [tilespmem:$0x50];
	_ =	sdelay $0x4  }
0x53: {  	v61 =	vshll.u32 v3, $0x1  }
0x54: {  	v3 =	vand.u32 $0x7, v3;
	v4 =	vand.u32 $0xFFFFFFF0, v61  }
0x55: {  	v3 =	vor.u32 v3, v4  }
0x56: {  	v4 =	vperm.xlane v3, v0;
	_ =	sdelay $0x1  }
0x57: {  	v3 =	vperm.xlane v3, v2;
	v4 =	vadd.s32 v1, v4;
	_ =	sdelay $0x1  }
0x58: {  	v3 =	vadd.s32 v1, v3;
	_ =	sdelay $0x1  }
0x59: {  	s18 =	simm.s32 $0x6900  }
0x5a: {  	[tilespmem:s18], [sflag:$0x1] =	stream.indirect_vreg.gather [hbm4b:s3+s2], $0x80, v4, vm0, $0xb8;
	[tilespmem:$0x11900] =	vst v63  }
0x5b: {  	_ = 	snop  }
0x5c: {  	[tilespmem:s19], [sflag:$0x1] =	stream.indirect_vreg.gather [hbm4b:s3+s2], $0x80, v3, vm0, $0xb8;
	[tilespmem:$0x11900] =	vst v63  }
0x5d: {  	v3 =	vld [tilespmem:$0x60];
	_ =	sdelay $0x4  }
0x5e: {  	v62 =	vshll.u32 v3, $0x1  }
0x5f: {  	v3 =	vand.u32 $0x7, v3;
	v4 =	vand.u32 $0xFFFFFFF0, v62  }
0x60: {  	v3 =	vor.u32 v3, v4  }
0x61: {  	v4 =	vperm.xlane v3, v0;
	_ =	sdelay $0x1  }
0x62: {  	v3 =	vperm.xlane v3, v2;
	v4 =	vadd.s32 v1, v4;
	_ =	sdelay $0x1  }
0x63: {  	v3 =	vadd.s32 v1, v3;
	_ =	sdelay $0x2  }
0x64: {  	[tilespmem:s20], [sflag:$0x1] =	stream.indirect_vreg.gather [hbm4b:s3+s2], $0x80, v4, vm0, $0xb8;
	[tilespmem:$0x11900] =	vst v63  }
0x65: {  	_ = 	snop  }
0x66: {  	[tilespmem:s21], [sflag:$0x1] =	stream.indirect_vreg.gather [hbm4b:s3+s2], $0x80, v3, vm0, $0xb8;
	[tilespmem:$0x11900] =	vst v63  }
0x67: {  	v3 =	vld [tilespmem:$0x70];
	_ =	sdelay $0x4  }
0x68: {  	v63 =	vshll.u32 v3, $0x1  }
0x69: {  	v3 =	vand.u32 $0x7, v3;
	v4 =	vand.u32 $0xFFFFFFF0, v63  }
0x6a: {  	v3 =	vor.u32 v3, v4  }
0x6b: {  	v4 =	vperm.xlane v3, v0;
	_ =	sdelay $0x1  }
0x6c: {  	v3 =	vperm.xlane v3, v2;
	v4 =	vadd.s32 v1, v4;
	_ =	sdelay $0x1  }
0x6d: {  	v3 =	vadd.s32 v1, v3  }
.Ltmp2:
0x6e: {  	_ = 	snop;
	(pc) =	sbr.rel .LBB2_2-.Ltmp2, $4  }
0x6f: {  	_ = 	snop  }
0x70: {  	[tilespmem:s22], [sflag:$0x1] =	stream.indirect_vreg.gather [hbm4b:s3+s2], $0x80, v4, vm0, $0xb8;
	[tilespmem:$0x11900] =	vst v63  }
0x71: {  	s15 =	simm.s32 $0xF0;
	s16 =	rddreg [dreg:$0x5];
	s17 =	simm.s32 $0x0  }
0x72: {  	[tilespmem:s23], [sflag:$0x1] =	stream.indirect_vreg.gather [hbm4b:s3+s2], $0x80, v3, vm0, $0xb8;
	[tilespmem:$0x11900] =	vst v63  }
.LBB2_6:
0x73: {  	_ =	swait.ge [sflag:s13], $0x8000  }
0x74: {  	[sflag:s13] =	ssyncset.done $0x0  }
0x75: {  	s18 =	simm.s32 $0x3;
	[sflag:s13] =	ssyncadd.s32 $0xFFFF8000  }
0x76: {  	[hbm4b:s16+s2] =	stream.linear.scatter [tilespmem:s24], [sflag:$0x3], $0x8000, $0x38;
	[tilespmem:$0x11900] =	vst v63  }
.LBB2_7:
0x77: {  	s17 =	sadd.s32 $0x1, s17  }
0x78: {  	p0 =	sne.s32 s17, $0x32  }
.Ltmp3:
0x79: {  	_ = 	snop;
	(pc) =	sbr.rel @!p0 .LBB2_8-.Ltmp3, $4  }
0x7a: {  	_ = 	snop  }
0x7b: {  	_ =	swait.ge [sflag:s18], $0x8000  }
0x7c: {  	[sflag:s18] =	ssyncset.done $0x0  }
0x7d: {  	s16 =	sadd.s32 $0x1000, s16;
	s15 =	sadd.s32 $0x80, s15;
	[sflag:s18] =	ssyncadd.s32 $0xFFFF8000  }
.LBB2_2:
0x7e: {  	s18 =	sand.u32 $0x1, s17  }
0x7f: {  	p0 =	seq.s32 s18, $0x1  }
.Ltmp4:
0x80: {  	_ = 	snop;
	(pc) =	sbr.rel @p0 .LBB2_4-.Ltmp4, $1  }
0x81: {  	_ =	sdelay $0x3  }
0x82: {  	v3 =	vld [tilespmem:s15+$0xFFFFFF90];
	_ =	sdelay $0x4  }
0x83: {  	v4 =	vshll.u32 v3, $0x1  }
0x84: {  	v3 =	vand.u32 $0x7, v3;
	v4 =	vand.u32 $0xFFFFFFF0, v4  }
0x85: {  	v3 =	vor.u32 v3, v4  }
0x86: {  	v4 =	vperm.xlane v3, v0;
	_ =	sdelay $0x1  }
0x87: {  	v3 =	vperm.xlane v3, v2;
	v4 =	vadd.s32 v1, v4;
	_ =	sdelay $0x1  }
0x88: {  	v3 =	vadd.s32 v1, v3;
	_ =	sdelay $0x2  }
0x89: {  	[tilespmem:s24], [sflag:$0x2] =	stream.indirect_vreg.gather [hbm4b:s3+s2], $0x80, v4, vm0, $0xb8;
	[tilespmem:$0x11900] =	vst v63  }
0x8a: {  	_ = 	snop  }
0x8b: {  	[tilespmem:s25], [sflag:$0x2] =	stream.indirect_vreg.gather [hbm4b:s3+s2], $0x80, v3, vm0, $0xb8;
	[tilespmem:$0x11900] =	vst v63  }
0x8c: {  	v3 =	vld [tilespmem:s15+$0xFFFFFFA0];
	_ =	sdelay $0x4  }
0x8d: {  	v57 =	vshll.u32 v3, $0x1  }
0x8e: {  	v3 =	vand.u32 $0x7, v3;
	v4 =	vand.u32 $0xFFFFFFF0, v57  }
0x8f: {  	v3 =	vor.u32 v3, v4  }
0x90: {  	v4 =	vperm.xlane v3, v0;
	_ =	sdelay $0x1  }
0x91: {  	v3 =	vperm.xlane v3, v2;
	v4 =	vadd.s32 v1, v4;
	_ =	sdelay $0x1  }
0x92: {  	v3 =	vadd.s32 v1, v3;
	_ =	sdelay $0x2  }
0x93: {  	[tilespmem:s26], [sflag:$0x2] =	stream.indirect_vreg.gather [hbm4b:s3+s2], $0x80, v4, vm0, $0xb8;
	[tilespmem:$0x11900] =	vst v63  }
0x94: {  	_ = 	snop  }
0x95: {  	[tilespmem:s28], [sflag:$0x2] =	stream.indirect_vreg.gather [hbm4b:s3+s2], $0x80, v3, vm0, $0xb8;
	[tilespmem:$0x11900] =	vst v63  }
0x96: {  	v3 =	vld [tilespmem:s15+$0xFFFFFFB0];
	_ =	sdelay $0x4  }
0x97: {  	v58 =	vshll.u32 v3, $0x1  }
0x98: {  	v3 =	vand.u32 $0x7, v3;
	v4 =	vand.u32 $0xFFFFFFF0, v58  }
0x99: {  	v3 =	vor.u32 v3, v4  }
0x9a: {  	v4 =	vperm.xlane v3, v0;
	_ =	sdelay $0x1  }
0x9b: {  	v3 =	vperm.xlane v3, v2;
	v4 =	vadd.s32 v1, v4;
	_ =	sdelay $0x1  }
0x9c: {  	v3 =	vadd.s32 v1, v3;
	_ =	sdelay $0x2  }
0x9d: {  	[tilespmem:s29], [sflag:$0x2] =	stream.indirect_vreg.gather [hbm4b:s3+s2], $0x80, v4, vm0, $0xb8;
	[tilespmem:$0x11900] =	vst v63  }
0x9e: {  	_ = 	snop  }
0x9f: {  	[tilespmem:s30], [sflag:$0x2] =	stream.indirect_vreg.gather [hbm4b:s3+s2], $0x80, v3, vm0, $0xb8;
	[tilespmem:$0x11900] =	vst v63  }
0xa0: {  	v3 =	vld [tilespmem:s15+$0xFFFFFFC0];
	_ =	sdelay $0x4  }
0xa1: {  	v59 =	vshll.u32 v3, $0x1  }
0xa2: {  	v3 =	vand.u32 $0x7, v3;
	v4 =	vand.u32 $0xFFFFFFF0, v59  }
0xa3: {  	v3 =	vor.u32 v3, v4  }
0xa4: {  	v4 =	vperm.xlane v3, v0;
	_ =	sdelay $0x1  }
0xa5: {  	v3 =	vperm.xlane v3, v2;
	v4 =	vadd.s32 v1, v4;
	_ =	sdelay $0x1  }
0xa6: {  	v3 =	vadd.s32 v1, v3;
	_ =	sdelay $0x2  }
0xa7: {  	[tilespmem:s31], [sflag:$0x2] =	stream.indirect_vreg.gather [hbm4b:s3+s2], $0x80, v4, vm0, $0xb8;
	[tilespmem:$0x11900] =	vst v63  }
0xa8: {  	_ = 	snop  }
0xa9: {  	[tilespmem:s0], [sflag:$0x2] =	stream.indirect_vreg.gather [hbm4b:s3+s2], $0x80, v3, vm0, $0xb8;
	[tilespmem:$0x11900] =	vst v63  }
0xaa: {  	v3 =	vld [tilespmem:s15+$0xFFFFFFD0];
	_ =	sdelay $0x4  }
0xab: {  	v60 =	vshll.u32 v3, $0x1  }
0xac: {  	v3 =	vand.u32 $0x7, v3;
	v4 =	vand.u32 $0xFFFFFFF0, v60  }
0xad: {  	v3 =	vor.u32 v3, v4  }
0xae: {  	v4 =	vperm.xlane v3, v0;
	_ =	sdelay $0x1  }
0xaf: {  	v3 =	vperm.xlane v3, v2;
	v4 =	vadd.s32 v1, v4;
	_ =	sdelay $0x1  }
0xb0: {  	v3 =	vadd.s32 v1, v3;
	_ =	sdelay $0x2  }
0xb1: {  	[tilespmem:s1], [sflag:$0x2] =	stream.indirect_vreg.gather [hbm4b:s3+s2], $0x80, v4, vm0, $0xb8;
	[tilespmem:$0x11900] =	vst v63  }
0xb2: {  	_ = 	snop  }
0xb3: {  	[tilespmem:s4], [sflag:$0x2] =	stream.indirect_vreg.gather [hbm4b:s3+s2], $0x80, v3, vm0, $0xb8;
	[tilespmem:$0x11900] =	vst v63  }
0xb4: {  	v3 =	vld [tilespmem:s15+$0xFFFFFFE0];
	_ =	sdelay $0x4  }
0xb5: {  	v61 =	vshll.u32 v3, $0x1  }
0xb6: {  	v3 =	vand.u32 $0x7, v3;
	v4 =	vand.u32 $0xFFFFFFF0, v61  }
0xb7: {  	v3 =	vor.u32 v3, v4  }
0xb8: {  	v4 =	vperm.xlane v3, v0;
	_ =	sdelay $0x1  }
0xb9: {  	v3 =	vperm.xlane v3, v2;
	v4 =	vadd.s32 v1, v4;
	_ =	sdelay $0x1  }
0xba: {  	v3 =	vadd.s32 v1, v3;
	_ =	sdelay $0x2  }
0xbb: {  	[tilespmem:s5], [sflag:$0x2] =	stream.indirect_vreg.gather [hbm4b:s3+s2], $0x80, v4, vm0, $0xb8;
	[tilespmem:$0x11900] =	vst v63  }
0xbc: {  	_ = 	snop  }
0xbd: {  	[tilespmem:s6], [sflag:$0x2] =	stream.indirect_vreg.gather [hbm4b:s3+s2], $0x80, v3, vm0, $0xb8;
	[tilespmem:$0x11900] =	vst v63  }
0xbe: {  	v3 =	vld [tilespmem:s15+$0xFFFFFFF0];
	_ =	sdelay $0x4  }
0xbf: {  	v62 =	vshll.u32 v3, $0x1  }
0xc0: {  	v3 =	vand.u32 $0x7, v3;
	v4 =	vand.u32 $0xFFFFFFF0, v62  }
0xc1: {  	v3 =	vor.u32 v3, v4  }
0xc2: {  	v4 =	vperm.xlane v3, v0;
	_ =	sdelay $0x1  }
0xc3: {  	v3 =	vperm.xlane v3, v2;
	v4 =	vadd.s32 v1, v4;
	_ =	sdelay $0x1  }
0xc4: {  	v3 =	vadd.s32 v1, v3;
	_ =	sdelay $0x2  }
0xc5: {  	[tilespmem:s7], [sflag:$0x2] =	stream.indirect_vreg.gather [hbm4b:s3+s2], $0x80, v4, vm0, $0xb8;
	[tilespmem:$0x11900] =	vst v63  }
0xc6: {  	_ = 	snop  }
0xc7: {  	[tilespmem:s9], [sflag:$0x2] =	stream.indirect_vreg.gather [hbm4b:s3+s2], $0x80, v3, vm0, $0xb8;
	[tilespmem:$0x11900] =	vst v63  }
0xc8: {  	v3 =	vld [tilespmem:s15+$0x0];
	_ =	sdelay $0x4  }
0xc9: {  	v63 =	vshll.u32 v3, $0x1  }
0xca: {  	v3 =	vand.u32 $0x7, v3;
	v4 =	vand.u32 $0xFFFFFFF0, v63  }
0xcb: {  	v3 =	vor.u32 v3, v4  }
0xcc: {  	v4 =	vperm.xlane v3, v0;
	_ =	sdelay $0x1  }
0xcd: {  	v3 =	vperm.xlane v3, v2;
	v4 =	vadd.s32 v1, v4;
	_ =	sdelay $0x1  }
0xce: {  	v3 =	vadd.s32 v1, v3;
	_ =	sdelay $0x2  }
0xcf: {  	[tilespmem:s10], [sflag:$0x2] =	stream.indirect_vreg.gather [hbm4b:s3+s2], $0x80, v4, vm0, $0xb8;
	[tilespmem:$0x11900] =	vst v63  }
0xd0: {  	_ = 	snop  }
0xd1: {  	[tilespmem:s11], [sflag:$0x2] =	stream.indirect_vreg.gather [hbm4b:s3+s2], $0x80, v3, vm0, $0xb8;
	[tilespmem:$0x11900] =	vst v63  }
.Ltmp5:
0xd2: {  	_ = 	snop;
	(pc) =	sbr.rel .LBB2_7-.Ltmp5, $4  }
0xd3: {  	_ =	swait.ge [sflag:s12], $0x8000  }
0xd4: {  	[sflag:s12] =	ssyncset.done $0x0  }
0xd5: {  	s18 =	simm.s32 $0x4;
	[sflag:s12] =	ssyncadd.s32 $0xFFFF8000  }
0xd6: {  	[hbm4b:s16+s2] =	stream.linear.scatter [tilespmem:s8], [sflag:$0x4], $0x8000, $0x38;
	[tilespmem:$0x11900] =	vst v63  }
.LBB2_4:
0xd7: {  	p0 =	seq.s32 s17, $0x31  }
.Ltmp6:
0xd8: {  	_ = 	snop;
	(pc) =	sbr.rel @p0 .LBB2_6-.Ltmp6, $1  }
0xd9: {  	_ =	sdelay $0x3  }
0xda: {  	v3 =	vld [tilespmem:s15+$0xFFFFFF90];
	_ =	sdelay $0x4  }
0xdb: {  	v4 =	vshll.u32 v3, $0x1  }
0xdc: {  	v3 =	vand.u32 $0x7, v3;
	v4 =	vand.u32 $0xFFFFFFF0, v4  }
0xdd: {  	v3 =	vor.u32 v3, v4  }
0xde: {  	v4 =	vperm.xlane v3, v0;
	_ =	sdelay $0x1  }
0xdf: {  	v3 =	vperm.xlane v3, v2;
	v4 =	vadd.s32 v1, v4;
	_ =	sdelay $0x1  }
0xe0: {  	v3 =	vadd.s32 v1, v3;
	_ =	sdelay $0x2  }
0xe1: {  	[tilespmem:s8], [sflag:$0x1] =	stream.indirect_vreg.gather [hbm4b:s3+s2], $0x80, v4, vm0, $0xb8;
	[tilespmem:$0x11900] =	vst v63  }
0xe2: {  	s18 =	simm.s32 $0x2100  }
0xe3: {  	[tilespmem:s18], [sflag:$0x1] =	stream.indirect_vreg.gather [hbm4b:s3+s2], $0x80, v3, vm0, $0xb8;
	[tilespmem:$0x11900] =	vst v63  }
0xe4: {  	v3 =	vld [tilespmem:s15+$0xFFFFFFA0];
	_ =	sdelay $0x4  }
0xe5: {  	v57 =	vshll.u32 v3, $0x1  }
0xe6: {  	v3 =	vand.u32 $0x7, v3;
	v4 =	vand.u32 $0xFFFFFFF0, v57  }
0xe7: {  	v3 =	vor.u32 v3, v4  }
0xe8: {  	v4 =	vperm.xlane v3, v0;
	_ =	sdelay $0x1  }
0xe9: {  	v3 =	vperm.xlane v3, v2;
	v4 =	vadd.s32 v1, v4;
	_ =	sdelay $0x1  }
0xea: {  	v3 =	vadd.s32 v1, v3;
	_ =	sdelay $0x1  }
0xeb: {  	s18 =	simm.s32 $0x2900  }
0xec: {  	[tilespmem:s18], [sflag:$0x1] =	stream.indirect_vreg.gather [hbm4b:s3+s2], $0x80, v4, vm0, $0xb8;
	[tilespmem:$0x11900] =	vst v63  }
0xed: {  	s18 =	simm.s32 $0x3100  }
0xee: {  	[tilespmem:s18], [sflag:$0x1] =	stream.indirect_vreg.gather [hbm4b:s3+s2], $0x80, v3, vm0, $0xb8;
	[tilespmem:$0x11900] =	vst v63  }
0xef: {  	v3 =	vld [tilespmem:s15+$0xFFFFFFB0];
	_ =	sdelay $0x4  }
0xf0: {  	v58 =	vshll.u32 v3, $0x1  }
0xf1: {  	v3 =	vand.u32 $0x7, v3;
	v4 =	vand.u32 $0xFFFFFFF0, v58  }
0xf2: {  	v3 =	vor.u32 v3, v4  }
0xf3: {  	v4 =	vperm.xlane v3, v0;
	_ =	sdelay $0x1  }
0xf4: {  	v3 =	vperm.xlane v3, v2;
	v4 =	vadd.s32 v1, v4;
	_ =	sdelay $0x1  }
0xf5: {  	v3 =	vadd.s32 v1, v3;
	_ =	sdelay $0x1  }
0xf6: {  	s18 =	simm.s32 $0x3900  }
0xf7: {  	[tilespmem:s18], [sflag:$0x1] =	stream.indirect_vreg.gather [hbm4b:s3+s2], $0x80, v4, vm0, $0xb8;
	[tilespmem:$0x11900] =	vst v63  }
0xf8: {  	s18 =	simm.s32 $0x4100  }
0xf9: {  	[tilespmem:s18], [sflag:$0x1] =	stream.indirect_vreg.gather [hbm4b:s3+s2], $0x80, v3, vm0, $0xb8;
	[tilespmem:$0x11900] =	vst v63  }
0xfa: {  	v3 =	vld [tilespmem:s15+$0xFFFFFFC0];
	_ =	sdelay $0x4  }
0xfb: {  	v59 =	vshll.u32 v3, $0x1  }
0xfc: {  	v3 =	vand.u32 $0x7, v3;
	v4 =	vand.u32 $0xFFFFFFF0, v59  }
0xfd: {  	v3 =	vor.u32 v3, v4  }
0xfe: {  	v4 =	vperm.xlane v3, v0;
	_ =	sdelay $0x1  }
0xff: {  	v3 =	vperm.xlane v3, v2;
	v4 =	vadd.s32 v1, v4;
	_ =	sdelay $0x1  }
0x100: {  	v3 =	vadd.s32 v1, v3;
	_ =	sdelay $0x1  }
0x101: {  	s18 =	simm.s32 $0x4900  }
0x102: {  	[tilespmem:s18], [sflag:$0x1] =	stream.indirect_vreg.gather [hbm4b:s3+s2], $0x80, v4, vm0, $0xb8;
	[tilespmem:$0x11900] =	vst v63  }
0x103: {  	s18 =	simm.s32 $0x5100  }
0x104: {  	[tilespmem:s18], [sflag:$0x1] =	stream.indirect_vreg.gather [hbm4b:s3+s2], $0x80, v3, vm0, $0xb8;
	[tilespmem:$0x11900] =	vst v63  }
0x105: {  	v3 =	vld [tilespmem:s15+$0xFFFFFFD0];
	_ =	sdelay $0x4  }
0x106: {  	v60 =	vshll.u32 v3, $0x1  }
0x107: {  	v3 =	vand.u32 $0x7, v3;
	v4 =	vand.u32 $0xFFFFFFF0, v60  }
0x108: {  	v3 =	vor.u32 v3, v4  }
0x109: {  	v4 =	vperm.xlane v3, v0;
	_ =	sdelay $0x1  }
0x10a: {  	v3 =	vperm.xlane v3, v2;
	v4 =	vadd.s32 v1, v4;
	_ =	sdelay $0x1  }
0x10b: {  	v3 =	vadd.s32 v1, v3;
	_ =	sdelay $0x1  }
0x10c: {  	s18 =	simm.s32 $0x5900  }
0x10d: {  	[tilespmem:s18], [sflag:$0x1] =	stream.indirect_vreg.gather [hbm4b:s3+s2], $0x80, v4, vm0, $0xb8;
	[tilespmem:$0x11900] =	vst v63  }
0x10e: {  	s18 =	simm.s32 $0x6100  }
0x10f: {  	[tilespmem:s18], [sflag:$0x1] =	stream.indirect_vreg.gather [hbm4b:s3+s2], $0x80, v3, vm0, $0xb8;
	[tilespmem:$0x11900] =	vst v63  }
0x110: {  	v3 =	vld [tilespmem:s15+$0xFFFFFFE0];
	_ =	sdelay $0x4  }
0x111: {  	v61 =	vshll.u32 v3, $0x1  }
0x112: {  	v3 =	vand.u32 $0x7, v3;
	v4 =	vand.u32 $0xFFFFFFF0, v61  }
0x113: {  	v3 =	vor.u32 v3, v4  }
0x114: {  	v4 =	vperm.xlane v3, v0;
	_ =	sdelay $0x1  }
0x115: {  	v3 =	vperm.xlane v3, v2;
	v4 =	vadd.s32 v1, v4;
	_ =	sdelay $0x1  }
0x116: {  	v3 =	vadd.s32 v1, v3;
	_ =	sdelay $0x1  }
0x117: {  	s18 =	simm.s32 $0x6900  }
0x118: {  	[tilespmem:s18], [sflag:$0x1] =	stream.indirect_vreg.gather [hbm4b:s3+s2], $0x80, v4, vm0, $0xb8;
	[tilespmem:$0x11900] =	vst v63  }
0x119: {  	_ = 	snop  }
0x11a: {  	[tilespmem:s19], [sflag:$0x1] =	stream.indirect_vreg.gather [hbm4b:s3+s2], $0x80, v3, vm0, $0xb8;
	[tilespmem:$0x11900] =	vst v63  }
0x11b: {  	v3 =	vld [tilespmem:s15+$0xFFFFFFF0];
	_ =	sdelay $0x4  }
0x11c: {  	v62 =	vshll.u32 v3, $0x1  }
0x11d: {  	v3 =	vand.u32 $0x7, v3;
	v4 =	vand.u32 $0xFFFFFFF0, v62  }
0x11e: {  	v3 =	vor.u32 v3, v4  }
0x11f: {  	v4 =	vperm.xlane v3, v0;
	_ =	sdelay $0x1  }
0x120: {  	v3 =	vperm.xlane v3, v2;
	v4 =	vadd.s32 v1, v4;
	_ =	sdelay $0x1  }
0x121: {  	v3 =	vadd.s32 v1, v3;
	_ =	sdelay $0x2  }
0x122: {  	[tilespmem:s20], [sflag:$0x1] =	stream.indirect_vreg.gather [hbm4b:s3+s2], $0x80, v4, vm0, $0xb8;
	[tilespmem:$0x11900] =	vst v63  }
0x123: {  	_ = 	snop  }
0x124: {  	[tilespmem:s21], [sflag:$0x1] =	stream.indirect_vreg.gather [hbm4b:s3+s2], $0x80, v3, vm0, $0xb8;
	[tilespmem:$0x11900] =	vst v63  }
0x125: {  	v3 =	vld [tilespmem:s15+$0x0];
	_ =	sdelay $0x4  }
0x126: {  	v63 =	vshll.u32 v3, $0x1  }
0x127: {  	v3 =	vand.u32 $0x7, v3;
	v4 =	vand.u32 $0xFFFFFFF0, v63  }
0x128: {  	v3 =	vor.u32 v3, v4  }
0x129: {  	v4 =	vperm.xlane v3, v0;
	_ =	sdelay $0x1  }
0x12a: {  	v3 =	vperm.xlane v3, v2;
	v4 =	vadd.s32 v1, v4;
	_ =	sdelay $0x1  }
0x12b: {  	v3 =	vadd.s32 v1, v3  }
.Ltmp7:
0x12c: {  	_ = 	snop;
	(pc) =	sbr.rel .LBB2_6-.Ltmp7, $4  }
0x12d: {  	_ = 	snop  }
0x12e: {  	[tilespmem:s22], [sflag:$0x1] =	stream.indirect_vreg.gather [hbm4b:s3+s2], $0x80, v4, vm0, $0xb8;
	[tilespmem:$0x11900] =	vst v63  }
0x12f: {  	_ = 	snop  }
0x130: {  	[tilespmem:s23], [sflag:$0x1] =	stream.indirect_vreg.gather [hbm4b:s3+s2], $0x80, v3, vm0, $0xb8;
	[tilespmem:$0x11900] =	vst v63  }
.LBB2_9:
0x131: {  	_ =	sfence.sel $0x180000  }
0x132: {  	[bflag:$0x0] =	sbarrier.arrive $0xFFFF  }
0x133: {  	_ =	strace $0x9000004A  }
0x134: {  	s0 =	stileid.u32;
	[bflag:$0x2] =	sbarrier.arrive $0xFFFF  }
0x135: {  	p0 =	sne.s32 s0, $0x0;
	s0 =	rddreg [dreg:$0x2]  }
0x136: {  	s0 =	sadd.s32 @!p0 $0x100000, s0  }
0x137: {  	[sflag:s0] =	ssyncadd.tile.s32 @!p0 $0x1;
	_ =	shalt  }
.Lfunc_end2:
_tile_overlayer_lowered:
.L_overlay_start_2:
0x138: {  	(tag) =	ssettag $0x2  }
0x139: {  	s0 =	rddreg [dreg:$0x0];
	s2 =	stileid.u32  }
0x13a: {  	s1 =	rddreg [dreg:$0x1];
	p0 =	sne.s32 s2, $0x0  }
0x13b: {  	s3 =	rddreg [dreg:$0x2];
	[bflag:$0x3] =	sbarrier.arrive $0xFFFF;
	s2 =	simm.s32 @!p0 $0x1C03  }
0x13c: {  	[timem:s3], [sflag:s2] =	dma.local @!p0 [hbm:s0], s1  }
0x13d: {  	s0 =	simm.s32 @!p0 $0x3  }
0x13e: {  	_ =	swait.ge @!p0 [sflag:s0], s1  }
0x13f: {  	s1 =	ssub.s32 @!p0 $0x0, s1;
	[sflag:s0] =	ssyncset.done @!p0 $0x0  }
0x140: {  	[sflag:s0] =	ssyncadd.s32 @!p0 s1  }
0x141: {  	[bflag:$0x3] =	sbarrier.arrive $0xFFFF  }
0x142: {  	_ =	shalt  }

</sc_bundles>
